<compile_context>
chip_gen: v7x
topology: tpu7x:2x2x1
jax: 0.10.2.dev20260603
libtpu: 0.0.44.dev20260713+nightly
codegen_flags: <defaults>
</compile_context>

<pallas_src>
import functools

import jax
import jax.numpy as jnp
from jax import lax
from jax.experimental import pallas as pl
from jax.experimental.pallas import tpu as pltpu
from jax.experimental.pallas import tpu_sc as plsc

N = 40000
E = 640000
DIN = 128
DH = 32
G = 4
KFLAT = N // G * DH

NW = 32
CH = 125
NCH = 160
NACC = 40960
ZPT = NACC // 16
ZCH = 128
OPT = 2496
OPT_LAST = N - 15 * OPT

@functools.cache
def _get_segsum_sc():
    mesh = plsc.VectorSubcoreMesh(
        core_axis_name="c", subcore_axis_name="s",
        num_cores=2, num_subcores=16)

    @functools.partial(
        pl.kernel,
        out_type=jax.ShapeDtypeStruct((2, N, DH), jnp.float32),
        mesh=mesh,
        scratch_types=[
            pltpu.VMEM((NCH, CH), jnp.int32),
            pltpu.VMEM((NCH, CH), jnp.int32),
            pltpu.VMEM((ZCH, DH), jnp.float32),
            pltpu.VMEM((ZCH, DH), jnp.float32),
            pltpu.VMEM_SHARED((NACC, DH), jnp.float32),
            pltpu.SemaphoreType.DMA,
            pltpu.SemaphoreType.DMA,
            pltpu.SemaphoreType.DMA,
            pltpu.SemaphoreType.DMA,
        ],
        compiler_params=pltpu.CompilerParams(use_tc_tiling_on_sc=False),
    )
    def _segsum_sc(p_hbm, src_hbm, dst_hbm, out_hbm, src_v, dst_v, rows_a,
                   rows_b, acc, sem_a, sem_b, ssem_a, ssem_b):
        _segsum_body(p_hbm, src_hbm, dst_hbm, out_hbm, src_v, dst_v, rows_a,
                     rows_b, acc, sem_a, sem_b, ssem_a, ssem_b)

    return _segsum_sc


def _segsum_body(p_hbm, src_hbm, dst_hbm, out_hbm, src_v, dst_v, rows_a,
                 rows_b, acc, sem_a, sem_b, ssem_a, ssem_b):
    c = lax.axis_index("c")
    s = lax.axis_index("s")
    wid = c * 16 + s

    def _zrow(i, carry):
        rows_a[i, pl.ds(0, 16)] = jnp.zeros((16,), jnp.float32)
        rows_a[i, pl.ds(16, 16)] = jnp.zeros((16,), jnp.float32)
        return carry

    lax.fori_loop(0, ZCH, _zrow, 0)

    def _zcp(i, carry):
        pltpu.async_copy(rows_a, acc.at[pl.ds(s * ZPT + i * ZCH, ZCH)],
                         ssem_a)
        return carry

    lax.fori_loop(0, ZPT // ZCH, _zcp, 0)
    pltpu.async_copy(src_hbm.at[wid], src_v, sem_a)
    pltpu.async_copy(dst_hbm.at[wid], dst_v, sem_b)

    def _zwait(i, carry):
        pltpu.make_async_copy(rows_a, acc.at[pl.ds(s * ZPT + i * ZCH, ZCH)],
                              ssem_a).wait()
        return carry

    lax.fori_loop(0, ZPT // ZCH, _zwait, 0)
    pltpu.make_async_copy(src_hbm.at[wid], src_v, sem_a).wait()
    pltpu.make_async_copy(dst_hbm.at[wid], dst_v, sem_b).wait()
    plsc.subcore_barrier()

    ra = rows_a.at[pl.ds(0, CH)]
    rb = rows_b.at[pl.ds(0, CH)]
    pltpu.async_copy(p_hbm.at[src_v.at[0]], ra, sem_a)
    pltpu.async_copy(p_hbm.at[src_v.at[1]], rb, sem_b)

    def _pair(p_, carry):
        j0 = 2 * p_
        j1 = j0 + 1
        pltpu.make_async_copy(p_hbm.at[src_v.at[j0]], ra, sem_a).wait()
        pltpu.async_copy(ra, acc.at[dst_v.at[j0]], ssem_a, add=True)
        pltpu.make_async_copy(p_hbm.at[src_v.at[j1]], rb, sem_b).wait()
        pltpu.async_copy(rb, acc.at[dst_v.at[j1]], ssem_b, add=True)
        pltpu.make_async_copy(ra, acc.at[dst_v.at[j0]], ssem_a).wait()

        @pl.when(j0 + 2 < NCH)
        def _pf_a():
            pltpu.async_copy(p_hbm.at[src_v.at[j0 + 2]], ra, sem_a)

        pltpu.make_async_copy(rb, acc.at[dst_v.at[j1]], ssem_b).wait()

        @pl.when(j1 + 2 < NCH)
        def _pf_b():
            pltpu.async_copy(p_hbm.at[src_v.at[j1 + 2]], rb, sem_b)

        return carry

    lax.fori_loop(0, NCH // 2, _pair, 0)
    plsc.subcore_barrier()

    @pl.when(s < 15)
    def _cp_main():
        pltpu.sync_copy(acc.at[pl.ds(s * OPT, OPT)],
                        out_hbm.at[c, pl.ds(s * OPT, OPT)])

    @pl.when(s == 15)
    def _cp_last():
        pltpu.sync_copy(acc.at[pl.ds(15 * OPT, OPT_LAST)],
                        out_hbm.at[c, pl.ds(15 * OPT, OPT_LAST)])


RB = 4000


def _mm1_body(x_ref, wr_ref, wo_ref, b_ref, p_ref, r_ref):
    xb = x_ref[...]
    p_ref[...] = jnp.dot(xb, wr_ref[...], preferred_element_type=jnp.float32)
    r_ref[...] = (jnp.dot(xb, wo_ref[...], preferred_element_type=jnp.float32)
                  + b_ref[...])


_mm1 = pl.pallas_call(
    _mm1_body,
    grid=(N // RB,),
    in_specs=[
        pl.BlockSpec((RB, DIN), lambda i: (i, 0)),
        pl.BlockSpec((DIN, DH), lambda i: (0, 0)),
        pl.BlockSpec((DIN, DH), lambda i: (0, 0)),
        pl.BlockSpec((1, DH), lambda i: (0, 0)),
    ],
    out_specs=[pl.BlockSpec((RB, DH), lambda i: (i, 0)),
               pl.BlockSpec((RB, DH), lambda i: (i, 0))],
    out_shape=[jax.ShapeDtypeStruct((N, DH), jnp.float32)] * 2,
)


def _mid_body(agg_ref, r1_ref, wr_ref, wo_ref, b_ref, p_ref, r_ref):
    h = jnp.maximum(agg_ref[0] + agg_ref[1] + r1_ref[...], 0.0)
    p_ref[...] = jnp.dot(h, wr_ref[...], preferred_element_type=jnp.float32)
    r_ref[...] = (jnp.dot(h, wo_ref[...], preferred_element_type=jnp.float32)
                  + b_ref[...])


_mid = pl.pallas_call(
    _mid_body,
    grid=(N // RB,),
    in_specs=[
        pl.BlockSpec((2, RB, DH), lambda i: (0, i, 0)),
        pl.BlockSpec((RB, DH), lambda i: (i, 0)),
        pl.BlockSpec((DH, DH), lambda i: (0, 0)),
        pl.BlockSpec((DH, DH), lambda i: (0, 0)),
        pl.BlockSpec((1, DH), lambda i: (0, 0)),
    ],
    out_specs=[pl.BlockSpec((RB, DH), lambda i: (i, 0)),
               pl.BlockSpec((RB, DH), lambda i: (i, 0))],
    out_shape=[jax.ShapeDtypeStruct((N, DH), jnp.float32)] * 2,
)


KC = 12800


def _fin_body(agg_ref, r2_ref, wmu_ref, wlv_ref, bmu_ref, blv_ref,
              mu_ref, lv_ref):
    i = pl.program_id(0)
    h = jnp.maximum(agg_ref[0] + agg_ref[1] + r2_ref[...], 0.0)
    dn = (((1,), (1,)), ((), ()))
    muc = lax.dot_general(h, wmu_ref[...], dn,
                          preferred_element_type=jnp.float32,
                          precision=lax.Precision.HIGHEST)
    lvc = lax.dot_general(h, wlv_ref[...], dn,
                          preferred_element_type=jnp.float32,
                          precision=lax.Precision.HIGHEST)

    @pl.when(i == 0)
    def _init():
        mu_ref[...] = jnp.broadcast_to(bmu_ref[...], (G, DH))
        lv_ref[...] = jnp.broadcast_to(blv_ref[...], (G, DH))

    mu_ref[...] += muc
    lv_ref[...] += lvc


_fin = pl.pallas_call(
    _fin_body,
    grid=(KFLAT // KC,),
    in_specs=[
        pl.BlockSpec((2, G, KC), lambda i: (0, 0, i)),
        pl.BlockSpec((G, KC), lambda i: (0, i)),
        pl.BlockSpec((DH, KC), lambda i: (0, i)),
        pl.BlockSpec((DH, KC), lambda i: (0, i)),
        pl.BlockSpec((1, DH), lambda i: (0, 0)),
        pl.BlockSpec((1, DH), lambda i: (0, 0)),
    ],
    out_specs=[pl.BlockSpec((G, DH), lambda i: (0, 0)),
               pl.BlockSpec((G, DH), lambda i: (0, 0))],
    out_shape=[jax.ShapeDtypeStruct((G, DH), jnp.float32)] * 2,
)


def kernel(x, edge_index, batch, W1_rel, W1_root, b1, W2_rel, W2_root, b2,
           Wmu, bmu, Wlv, blv):
    src = edge_index[0].reshape(NW, NCH, CH)
    dst = edge_index[1].reshape(NW, NCH, CH)

    segsum = _get_segsum_sc()
    p1, r1 = _mm1(x, W1_rel.T, W1_root.T, b1.reshape(1, DH))
    agg1 = segsum(p1, src, dst)
    p2, r2 = _mid(agg1, r1, W2_rel.T, W2_root.T, b2.reshape(1, DH))
    agg2 = segsum(p2, src, dst)
    mu, lv = _fin(agg2.reshape(2, G, KFLAT), r2.reshape(G, KFLAT),
                  Wmu, Wlv, bmu.reshape(1, DH), blv.reshape(1, DH))
    return mu, lv

# --- scband reference (transcript-rebuilt; emitter-appended) ---
"""Pipeline reference for scband-encoder-conv-mlp-86363202388083 (READ-ONLY COPY).

The authoritative reference and input builder live on the scoring server;
editing this copy changes nothing except your own understanding.
"""

import jax, jax.numpy as jnp
import numpy as np

N_GRAPHS = 4
N_NODES = 10000
N_TOTAL = N_GRAPHS * N_NODES
E = 640000
D_IN = 128
D_H = 32
D_LAT = 32


def setup_inputs(seed: int = 0) -> dict:
    key = jax.random.key(seed)
    ks = jax.random.split(key, 10)
    x = jax.random.normal(ks[0], (N_TOTAL, D_IN), dtype=jnp.float32)
    edge_index = jax.random.randint(ks[1], (2, E), 0, N_TOTAL, dtype=jnp.int32)
    # batch vector: graph assignment per node (sorted, 10000 nodes per graph)
    batch = jnp.repeat(jnp.arange(N_GRAPHS, dtype=jnp.int32), N_NODES)

    def w(k, shape, fan_in):
        return jax.random.normal(k, shape, dtype=jnp.float32) / np.sqrt(fan_in)

    W1_rel = w(ks[2], (D_H, D_IN), D_IN)
    W1_root = w(ks[3], (D_H, D_IN), D_IN)
    b1 = jnp.zeros((D_H,), dtype=jnp.float32)
    W2_rel = w(ks[4], (D_H, D_H), D_H)
    W2_root = w(ks[5], (D_H, D_H), D_H)
    b2 = jnp.zeros((D_H,), dtype=jnp.float32)
    Wmu = w(ks[6], (D_LAT, N_NODES * D_H), N_NODES * D_H)
    bmu = jnp.zeros((D_LAT,), dtype=jnp.float32)
    Wlv = w(ks[7], (D_LAT, N_NODES * D_H), N_NODES * D_H)
    blv = jnp.zeros((D_LAT,), dtype=jnp.float32)
    return {"x": x, "edge_index": edge_index, "batch": batch,
            "W1_rel": W1_rel, "W1_root": W1_root, "b1": b1,
            "W2_rel": W2_rel, "W2_root": W2_root, "b2": b2,
            "Wmu": Wmu, "bmu": bmu, "Wlv": Wlv, "blv": blv}


def graph_conv(x, src, dst, Wrel, Wroot, b):
    # PyG GraphConv (aggr='add'): out_i = Wrel @ sum_{j in N(i)} x_j + Wroot @ x_i + b
    msgs = x[src]
    agg = jax.ops.segment_sum(msgs, dst, num_segments=x.shape[0])
    return agg @ Wrel.T + x @ Wroot.T + b


def reference(x, edge_index, batch, W1_rel, W1_root, b1, W2_rel, W2_root, b2, Wmu, bmu, Wlv, blv):
    src = edge_index[0]
    dst = edge_index[1]
    # dropout p=0.0 -> identity (deterministic reference)
    hidden1 = jax.nn.relu(graph_conv(x, src, dst, W1_rel, W1_root, b1))
    hidden2 = jax.nn.relu(graph_conv(hidden1, src, dst, W2_rel, W2_root, b2))
    nodes_per_graph = Wmu.shape[1] // hidden2.shape[1]
    bs = batch.shape[0] // nodes_per_graph
    h = hidden2.reshape(bs, -1)
    mu = h @ Wmu.T + bmu
    logvar = h @ Wlv.T + blv
    return (jnp.squeeze(mu), jnp.squeeze(logvar))

if __name__ == "__main__":
    import jax
    _d = setup_inputs()
    print(jax.jit(kernel)(*tuple(_d.values())))

</pallas_src>

<mosaic_0001>
#map = affine_map<(d0, d1) -> (0, 0)>
#map1 = affine_map<(d0, d1) -> (0, 0, 0)>
module attributes {stable_mosaic.version = 14 : i64} {
  func.func @_segsum_sc(%arg0: i32, %arg1: i32, %arg2: memref<40000x32xf32, #tpu.memory_space<hbm>>, %arg3: memref<32x160x125xi32, #tpu.memory_space<hbm>>, %arg4: memref<32x160x125xi32, #tpu.memory_space<hbm>>, %arg5: memref<2x40000x32xf32, #tpu.memory_space<hbm>>, %arg6: memref<160x125xi32, #tpu.memory_space<vmem>>, %arg7: memref<160x125xi32, #tpu.memory_space<vmem>>, %arg8: memref<128x32xf32, #tpu.memory_space<vmem>>, %arg9: memref<128x32xf32, #tpu.memory_space<vmem>>, %arg10: memref<40960x32xf32, #tpu.memory_space<vmem_shared>>, %arg11: memref<!tpu.dma_semaphore, #tpu.memory_space<semaphore_mem>>, %arg12: memref<!tpu.dma_semaphore, #tpu.memory_space<semaphore_mem>>, %arg13: memref<!tpu.dma_semaphore, #tpu.memory_space<semaphore_mem>>, %arg14: memref<!tpu.dma_semaphore, #tpu.memory_space<semaphore_mem>>) attributes {dimension_semantics = [#tpu.dimension_semantics<core_parallel>, #tpu.dimension_semantics<subcore_parallel>], iteration_bounds = array<i64: 2, 16>, scalar_prefetch = 0 : i64, scratch_operands = 9 : i64, tpu.core_type = #tpu.core_type<sc_vector_subcore>, window_params = [{transform_indices = #map}, {transform_indices = #map1}, {transform_indices = #map1}, {transform_indices = #map1}]} {
    %mul3A = arith.constant 16 : i32
    %mul3A_0 = arith.muli %arg0, %mul3A : i32
    %add3A = arith.addi %mul3A_0, %arg1 : i32
    %scan3A = arith.constant 0 : i32
    %scan3A_1 = arith.constant 0 : i32
    %scan3A_2 = arith.constant 128 : i32
    %scan3A_3 = arith.addi %scan3A_1, %scan3A_2 : i32
    %scan3A_4 = arith.constant 1 : i32
    scf.for %scan3A_81 = %scan3A_1 to %scan3A_3 step %scan3A_4  : i32 {
      %broadcast_in_dim3A = arith.constant 0.000000e+00 : f32
      %broadcast_in_dim3A_82 = vector.broadcast %broadcast_in_dim3A : f32 to vector<16xf32>
      %swap3A = arith.index_cast %scan3A_81 : i32 to index
      %swap3A_83 = arith.constant 0 : index
      %swap3A_84 = tpu.vector_load %arg8[%swap3A, %swap3A_83] {strides = array<i32>} : memref<128x32xf32, #tpu.memory_space<vmem>>, vector<1x16xf32>,
      %swap3A_85 = vector.shape_cast %swap3A_84 : vector<1x16xf32> to vector<16xf32>
      %swap3A_86 = vector.shape_cast %broadcast_in_dim3A_82 : vector<16xf32> to vector<1x16xf32>
      tpu.vector_store %arg8[%swap3A, %swap3A_83], %swap3A_86 {strides = array<i32>} : memref<128x32xf32, #tpu.memory_space<vmem>>, vector<1x16xf32>,
      %broadcast_in_dim3A_87 = arith.constant 0.000000e+00 : f32
      %broadcast_in_dim3A_88 = vector.broadcast %broadcast_in_dim3A_87 : f32 to vector<16xf32>
      %swap3A_89 = arith.index_cast %scan3A_81 : i32 to index
      %swap3A_90 = arith.constant 16 : index
      %swap3A_91 = tpu.vector_load %arg8[%swap3A_89, %swap3A_90] {strides = array<i32>} : memref<128x32xf32, #tpu.memory_space<vmem>>, vector<1x16xf32>,
      %swap3A_92 = vector.shape_cast %swap3A_91 : vector<1x16xf32> to vector<16xf32>
      %swap3A_93 = vector.shape_cast %broadcast_in_dim3A_88 : vector<16xf32> to vector<1x16xf32>
      tpu.vector_store %arg8[%swap3A_89, %swap3A_90], %swap3A_93 {strides = array<i32>} : memref<128x32xf32, #tpu.memory_space<vmem>>, vector<1x16xf32>,
    }
    %scan3A_5 = arith.constant 128 : i32
    %scan3A_6 = arith.constant 0 : i32
    %scan3A_7 = arith.constant 0 : i32
    %scan3A_8 = arith.constant 20 : i32
    %scan3A_9 = arith.addi %scan3A_7, %scan3A_8 : i32
    %scan3A_10 = arith.constant 1 : i32
    scf.for %scan3A_81 = %scan3A_7 to %scan3A_9 step %scan3A_10  : i32 {
      %mul3A_82 = arith.constant 2560 : i32
      %mul3A_83 = arith.muli %arg1, %mul3A_82 : i32
      %mul3A_84 = arith.constant 128 : i32
      %mul3A_85 = arith.muli %scan3A_81, %mul3A_84 : i32
      %add3A_86 = arith.addi %mul3A_83, %mul3A_85 : i32
      %dma_start3A_87 = arith.constant 0 : i32
      %dma_start3A_88 = tpu.memref_slice %arg10[%add3A_86, %dma_start3A_87] : memref<40960x32xf32, #tpu.memory_space<vmem_shared>> -> memref<128x32xf32, #tpu.memory_space<vmem_shared>>
      %dma_start3A_89 = arith.constant 0 : i32
      %dma_start3A_90 = tpu.memref_slice %arg10[%add3A_86, %dma_start3A_89] : memref<40960x32xf32, #tpu.memory_space<vmem_shared>> -> memref<128x32xf32, #tpu.memory_space<vmem_shared>>
      tpu.enqueue_dma source(%arg8 : memref<128x32xf32, #tpu.memory_space<vmem>>) target(%dma_start3A_90 : memref<128x32xf32, #tpu.memory_space<vmem_shared>>) target_semaphore(%arg13 : memref<!tpu.dma_semaphore, #tpu.memory_space<semaphore_mem>>)
    }
    %scan3A_11 = arith.constant 20 : i32
    %dma_start3A = arith.constant 0 : i32
    %dma_start3A_12 = arith.constant 0 : i32
    %dma_start3A_13 = tpu.memref_slice %arg3[%add3A, %dma_start3A, %dma_start3A_12] : memref<32x160x125xi32, #tpu.memory_space<hbm>> -> memref<1x160x125xi32, #tpu.memory_space<hbm>>
    %dma_start3A_14 = tpu.memref_squeeze %dma_start3A_13 : memref<1x160x125xi32, #tpu.memory_space<hbm>> -> memref<160x125xi32, #tpu.memory_space<hbm>>
    %dma_start3A_15 = arith.constant 0 : i32
    %dma_start3A_16 = arith.constant 0 : i32
    %dma_start3A_17 = tpu.memref_slice %arg3[%add3A, %dma_start3A_15, %dma_start3A_16] : memref<32x160x125xi32, #tpu.memory_space<hbm>> -> memref<1x160x125xi32, #tpu.memory_space<hbm>>
    %dma_start3A_18 = tpu.memref_squeeze %dma_start3A_17 : memref<1x160x125xi32, #tpu.memory_space<hbm>> -> memref<160x125xi32, #tpu.memory_space<hbm>>
    tpu.enqueue_dma source(%dma_start3A_18 : memref<160x125xi32, #tpu.memory_space<hbm>>) target(%arg6 : memref<160x125xi32, #tpu.memory_space<vmem>>) target_semaphore(%arg11 : memref<!tpu.dma_semaphore, #tpu.memory_space<semaphore_mem>>)
    %dma_start3A_19 = arith.constant 0 : i32
    %dma_start3A_20 = arith.constant 0 : i32
    %dma_start3A_21 = tpu.memref_slice %arg4[%add3A, %dma_start3A_19, %dma_start3A_20] : memref<32x160x125xi32, #tpu.memory_space<hbm>> -> memref<1x160x125xi32, #tpu.memory_space<hbm>>
    %dma_start3A_22 = tpu.memref_squeeze %dma_start3A_21 : memref<1x160x125xi32, #tpu.memory_space<hbm>> -> memref<160x125xi32, #tpu.memory_space<hbm>>
    %dma_start3A_23 = arith.constant 0 : i32
    %dma_start3A_24 = arith.constant 0 : i32
    %dma_start3A_25 = tpu.memref_slice %arg4[%add3A, %dma_start3A_23, %dma_start3A_24] : memref<32x160x125xi32, #tpu.memory_space<hbm>> -> memref<1x160x125xi32, #tpu.memory_space<hbm>>
    %dma_start3A_26 = tpu.memref_squeeze %dma_start3A_25 : memref<1x160x125xi32, #tpu.memory_space<hbm>> -> memref<160x125xi32, #tpu.memory_space<hbm>>
    tpu.enqueue_dma source(%dma_start3A_26 : memref<160x125xi32, #tpu.memory_space<hbm>>) target(%arg7 : memref<160x125xi32, #tpu.memory_space<vmem>>) target_semaphore(%arg12 : memref<!tpu.dma_semaphore, #tpu.memory_space<semaphore_mem>>)
    %scan3A_27 = arith.constant 0 : i32
    %scan3A_28 = arith.constant 0 : i32
    %scan3A_29 = arith.constant 20 : i32
    %scan3A_30 = arith.addi %scan3A_28, %scan3A_29 : i32
    %scan3A_31 = arith.constant 1 : i32
    scf.for %scan3A_81 = %scan3A_28 to %scan3A_30 step %scan3A_31  : i32 {
      %mul3A_82 = arith.constant 2560 : i32
      %mul3A_83 = arith.muli %arg1, %mul3A_82 : i32
      %mul3A_84 = arith.constant 128 : i32
      %mul3A_85 = arith.muli %scan3A_81, %mul3A_84 : i32
      %add3A_86 = arith.addi %mul3A_83, %mul3A_85 : i32
      %dma_wait3A_87 = arith.constant 0 : i32
      %dma_wait3A_88 = tpu.memref_slice %arg10[%add3A_86, %dma_wait3A_87] : memref<40960x32xf32, #tpu.memory_space<vmem_shared>> -> memref<128x32xf32, #tpu.memory_space<vmem_shared>>
      %dma_wait3A_89 = arith.constant 0 : i32
      %dma_wait3A_90 = tpu.memref_slice %arg10[%add3A_86, %dma_wait3A_89] : memref<40960x32xf32, #tpu.memory_space<vmem_shared>> -> memref<128x32xf32, #tpu.memory_space<vmem_shared>>
      tpu.wait_dma2 semaphore(%arg13 : memref<!tpu.dma_semaphore, #tpu.memory_space<semaphore_mem>>) src(%arg8 : memref<128x32xf32, #tpu.memory_space<vmem>>) dst(%dma_wait3A_90 : memref<128x32xf32, #tpu.memory_space<vmem_shared>>)
    }
    %scan3A_32 = arith.constant 20 : i32
    %dma_wait3A = arith.constant 0 : i32
    %dma_wait3A_33 = arith.constant 0 : i32
    %dma_wait3A_34 = tpu.memref_slice %arg3[%add3A, %dma_wait3A, %dma_wait3A_33] : memref<32x160x125xi32, #tpu.memory_space<hbm>> -> memref<1x160x125xi32, #tpu.memory_space<hbm>>
    %dma_wait3A_35 = tpu.memref_squeeze %dma_wait3A_34 : memref<1x160x125xi32, #tpu.memory_space<hbm>> -> memref<160x125xi32, #tpu.memory_space<hbm>>
    %dma_wait3A_36 = arith.constant 0 : i32
    %dma_wait3A_37 = arith.constant 0 : i32
    %dma_wait3A_38 = tpu.memref_slice %arg3[%add3A, %dma_wait3A_36, %dma_wait3A_37] : memref<32x160x125xi32, #tpu.memory_space<hbm>> -> memref<1x160x125xi32, #tpu.memory_space<hbm>>
    %dma_wait3A_39 = tpu.memref_squeeze %dma_wait3A_38 : memref<1x160x125xi32, #tpu.memory_space<hbm>> -> memref<160x125xi32, #tpu.memory_space<hbm>>
    tpu.wait_dma2 semaphore(%arg11 : memref<!tpu.dma_semaphore, #tpu.memory_space<semaphore_mem>>) src(%dma_wait3A_39 : memref<160x125xi32, #tpu.memory_space<hbm>>) dst(%arg6 : memref<160x125xi32, #tpu.memory_space<vmem>>)
    %dma_wait3A_40 = arith.constant 0 : i32
    %dma_wait3A_41 = arith.constant 0 : i32
    %dma_wait3A_42 = tpu.memref_slice %arg4[%add3A, %dma_wait3A_40, %dma_wait3A_41] : memref<32x160x125xi32, #tpu.memory_space<hbm>> -> memref<1x160x125xi32, #tpu.memory_space<hbm>>
    %dma_wait3A_43 = tpu.memref_squeeze %dma_wait3A_42 : memref<1x160x125xi32, #tpu.memory_space<hbm>> -> memref<160x125xi32, #tpu.memory_space<hbm>>
    %dma_wait3A_44 = arith.constant 0 : i32
    %dma_wait3A_45 = arith.constant 0 : i32
    %dma_wait3A_46 = tpu.memref_slice %arg4[%add3A, %dma_wait3A_44, %dma_wait3A_45] : memref<32x160x125xi32, #tpu.memory_space<hbm>> -> memref<1x160x125xi32, #tpu.memory_space<hbm>>
    %dma_wait3A_47 = tpu.memref_squeeze %dma_wait3A_46 : memref<1x160x125xi32, #tpu.memory_space<hbm>> -> memref<160x125xi32, #tpu.memory_space<hbm>>
    tpu.wait_dma2 semaphore(%arg12 : memref<!tpu.dma_semaphore, #tpu.memory_space<semaphore_mem>>) src(%dma_wait3A_47 : memref<160x125xi32, #tpu.memory_space<hbm>>) dst(%arg7 : memref<160x125xi32, #tpu.memory_space<vmem>>)
    %barrier3A = arith.constant 0 : index
    tpu.barrier barrier_id(%barrier3A)
    %dma_start3A_48 = arith.constant 0 : i32
    %dma_start3A_49 = arith.constant 0 : i32
    %dma_start3A_50 = arith.constant 0 : i32
    %dma_start3A_51 = tpu.memref_slice %arg8[%dma_start3A_49, %dma_start3A_50] : memref<128x32xf32, #tpu.memory_space<vmem>> -> memref<125x32xf32, #tpu.memory_space<vmem>>
    %dma_start3A_52 = arith.constant 0 : i32
    %dma_start3A_53 = tpu.memref_slice %arg6[%dma_start3A_48, %dma_start3A_52] : memref<160x125xi32, #tpu.memory_space<vmem>> -> memref<1x125xi32, #tpu.memory_space<vmem>>
    %dma_start3A_54 = tpu.memref_squeeze %dma_start3A_53 : memref<1x125xi32, #tpu.memory_space<vmem>> -> memref<125xi32, #tpu.memory_space<vmem>>
    %dma_start3A_55 = arith.constant 0 : i32
    %dma_start3A_56 = arith.constant 0 : i32
    %dma_start3A_57 = tpu.memref_slice %arg2[%dma_start3A_55, %dma_start3A_56] : memref<40000x32xf32, #tpu.memory_space<hbm>> -> memref<40000x32xf32, #tpu.memory_space<hbm>>
    tpu.enqueue_indirect_dma source(%dma_start3A_57 : memref<40000x32xf32, #tpu.memory_space<hbm>>) target(%dma_start3A_51 : memref<125x32xf32, #tpu.memory_space<vmem>>) offsets(%dma_start3A_54 : memref<125xi32, #tpu.memory_space<vmem>>) semaphore(%arg11 : memref<!tpu.dma_semaphore, #tpu.memory_space<semaphore_mem>>)
    %dma_start3A_58 = arith.constant 1 : i32
    %dma_start3A_59 = arith.constant 0 : i32
    %dma_start3A_60 = arith.constant 0 : i32
    %dma_start3A_61 = tpu.memref_slice %arg9[%dma_start3A_59, %dma_start3A_60] : memref<128x32xf32, #tpu.memory_space<vmem>> -> memref<125x32xf32, #tpu.memory_space<vmem>>
    %dma_start3A_62 = arith.constant 0 : i32
    %dma_start3A_63 = tpu.memref_slice %arg6[%dma_start3A_58, %dma_start3A_62] : memref<160x125xi32, #tpu.memory_space<vmem>> -> memref<1x125xi32, #tpu.memory_space<vmem>>
    %dma_start3A_64 = tpu.memref_squeeze %dma_start3A_63 : memref<1x125xi32, #tpu.memory_space<vmem>> -> memref<125xi32, #tpu.memory_space<vmem>>
    %dma_start3A_65 = arith.constant 0 : i32
    %dma_start3A_66 = arith.constant 0 : i32
    %dma_start3A_67 = tpu.memref_slice %arg2[%dma_start3A_65, %dma_start3A_66] : memref<40000x32xf32, #tpu.memory_space<hbm>> -> memref<40000x32xf32, #tpu.memory_space<hbm>>
    tpu.enqueue_indirect_dma source(%dma_start3A_67 : memref<40000x32xf32, #tpu.memory_space<hbm>>) target(%dma_start3A_61 : memref<125x32xf32, #tpu.memory_space<vmem>>) offsets(%dma_start3A_64 : memref<125xi32, #tpu.memory_space<vmem>>) semaphore(%arg12 : memref<!tpu.dma_semaphore, #tpu.memory_space<semaphore_mem>>)
    %scan3A_68 = arith.constant 0 : i32
    %scan3A_69 = arith.constant 0 : i32
    %scan3A_70 = arith.constant 80 : i32
    %scan3A_71 = arith.addi %scan3A_69, %scan3A_70 : i32
    %scan3A_72 = arith.constant 1 : i32
    scf.for %scan3A_81 = %scan3A_69 to %scan3A_71 step %scan3A_72  : i32 {
      %mul3A_82 = arith.constant 2 : i32
      %mul3A_83 = arith.muli %mul3A_82, %scan3A_81 : i32
      %add3A_84 = arith.constant 1 : i32
      %add3A_85 = arith.addi %mul3A_83, %add3A_84 : i32
      %dma_wait3A_86 = arith.constant 0 : i32
      %dma_wait3A_87 = arith.constant 0 : i32
      %dma_wait3A_88 = tpu.memref_slice %arg8[%dma_wait3A_86, %dma_wait3A_87] : memref<128x32xf32, #tpu.memory_space<vmem>> -> memref<125x32xf32, #tpu.memory_space<vmem>>
      %dma_wait3A_89 = arith.constant 0 : i32
      %dma_wait3A_90 = tpu.memref_slice %arg6[%mul3A_83, %dma_wait3A_89] : memref<160x125xi32, #tpu.memory_space<vmem>> -> memref<1x125xi32, #tpu.memory_space<vmem>>
      %dma_wait3A_91 = tpu.memref_squeeze %dma_wait3A_90 : memref<1x125xi32, #tpu.memory_space<vmem>> -> memref<125xi32, #tpu.memory_space<vmem>>
      %dma_wait3A_92 = arith.constant 0 : i32
      %dma_wait3A_93 = arith.constant 0 : i32
      %dma_wait3A_94 = tpu.memref_slice %arg2[%dma_wait3A_92, %dma_wait3A_93] : memref<40000x32xf32, #tpu.memory_space<hbm>> -> memref<40000x32xf32, #tpu.memory_space<hbm>>
      tpu.wait_indirect_dma semaphore(%arg11 : memref<!tpu.dma_semaphore, #tpu.memory_space<semaphore_mem>>) src(%dma_wait3A_94 : memref<40000x32xf32, #tpu.memory_space<hbm>>) dst(%dma_wait3A_88 : memref<125x32xf32, #tpu.memory_space<vmem>>)
      %dma_start3A_95 = arith.constant 0 : i32
      %dma_start3A_96 = arith.constant 0 : i32
      %dma_start3A_97 = tpu.memref_slice %arg8[%dma_start3A_95, %dma_start3A_96] : memref<128x32xf32, #tpu.memory_space<vmem>> -> memref<125x32xf32, #tpu.memory_space<vmem>>
      %dma_start3A_98 = arith.constant 0 : i32
      %dma_start3A_99 = tpu.memref_slice %arg7[%mul3A_83, %dma_start3A_98] : memref<160x125xi32, #tpu.memory_space<vmem>> -> memref<1x125xi32, #tpu.memory_space<vmem>>
      %dma_start3A_100 = tpu.memref_squeeze %dma_start3A_99 : memref<1x125xi32, #tpu.memory_space<vmem>> -> memref<125xi32, #tpu.memory_space<vmem>>
      %dma_start3A_101 = arith.constant 0 : i32
      %dma_start3A_102 = arith.constant 0 : i32
      %dma_start3A_103 = tpu.memref_slice %arg10[%dma_start3A_101, %dma_start3A_102] : memref<40960x32xf32, #tpu.memory_space<vmem_shared>> -> memref<40960x32xf32, #tpu.memory_space<vmem_shared>>
      tpu.enqueue_indirect_dma source(%dma_start3A_97 : memref<125x32xf32, #tpu.memory_space<vmem>>) target(%dma_start3A_103 : memref<40960x32xf32, #tpu.memory_space<vmem_shared>>) offsets(%dma_start3A_100 : memref<125xi32, #tpu.memory_space<vmem>>) semaphore(%arg13 : memref<!tpu.dma_semaphore, #tpu.memory_space<semaphore_mem>>) {add = true}
      %dma_wait3A_104 = arith.constant 0 : i32
      %dma_wait3A_105 = arith.constant 0 : i32
      %dma_wait3A_106 = tpu.memref_slice %arg9[%dma_wait3A_104, %dma_wait3A_105] : memref<128x32xf32, #tpu.memory_space<vmem>> -> memref<125x32xf32, #tpu.memory_space<vmem>>
      %dma_wait3A_107 = arith.constant 0 : i32
      %dma_wait3A_108 = tpu.memref_slice %arg6[%add3A_85, %dma_wait3A_107] : memref<160x125xi32, #tpu.memory_space<vmem>> -> memref<1x125xi32, #tpu.memory_space<vmem>>
      %dma_wait3A_109 = tpu.memref_squeeze %dma_wait3A_108 : memref<1x125xi32, #tpu.memory_space<vmem>> -> memref<125xi32, #tpu.memory_space<vmem>>
      %dma_wait3A_110 = arith.constant 0 : i32
      %dma_wait3A_111 = arith.constant 0 : i32
      %dma_wait3A_112 = tpu.memref_slice %arg2[%dma_wait3A_110, %dma_wait3A_111] : memref<40000x32xf32, #tpu.memory_space<hbm>> -> memref<40000x32xf32, #tpu.memory_space<hbm>>
      tpu.wait_indirect_dma semaphore(%arg12 : memref<!tpu.dma_semaphore, #tpu.memory_space<semaphore_mem>>) src(%dma_wait3A_112 : memref<40000x32xf32, #tpu.memory_space<hbm>>) dst(%dma_wait3A_106 : memref<125x32xf32, #tpu.memory_space<vmem>>)
      %dma_start3A_113 = arith.constant 0 : i32
      %dma_start3A_114 = arith.constant 0 : i32
      %dma_start3A_115 = tpu.memref_slice %arg9[%dma_start3A_113, %dma_start3A_114] : memref<128x32xf32, #tpu.memory_space<vmem>> -> memref<125x32xf32, #tpu.memory_space<vmem>>
      %dma_start3A_116 = arith.constant 0 : i32
      %dma_start3A_117 = tpu.memref_slice %arg7[%add3A_85, %dma_start3A_116] : memref<160x125xi32, #tpu.memory_space<vmem>> -> memref<1x125xi32, #tpu.memory_space<vmem>>
      %dma_start3A_118 = tpu.memref_squeeze %dma_start3A_117 : memref<1x125xi32, #tpu.memory_space<vmem>> -> memref<125xi32, #tpu.memory_space<vmem>>
      %dma_start3A_119 = arith.constant 0 : i32
      %dma_start3A_120 = arith.constant 0 : i32
      %dma_start3A_121 = tpu.memref_slice %arg10[%dma_start3A_119, %dma_start3A_120] : memref<40960x32xf32, #tpu.memory_space<vmem_shared>> -> memref<40960x32xf32, #tpu.memory_space<vmem_shared>>
      tpu.enqueue_indirect_dma source(%dma_start3A_115 : memref<125x32xf32, #tpu.memory_space<vmem>>) target(%dma_start3A_121 : memref<40960x32xf32, #tpu.memory_space<vmem_shared>>) offsets(%dma_start3A_118 : memref<125xi32, #tpu.memory_space<vmem>>) semaphore(%arg14 : memref<!tpu.dma_semaphore, #tpu.memory_space<semaphore_mem>>) {add = true}
      %dma_wait3A_122 = arith.constant 0 : i32
      %dma_wait3A_123 = arith.constant 0 : i32
      %dma_wait3A_124 = tpu.memref_slice %arg8[%dma_wait3A_122, %dma_wait3A_123] : memref<128x32xf32, #tpu.memory_space<vmem>> -> memref<125x32xf32, #tpu.memory_space<vmem>>
      %dma_wait3A_125 = arith.constant 0 : i32
      %dma_wait3A_126 = tpu.memref_slice %arg7[%mul3A_83, %dma_wait3A_125] : memref<160x125xi32, #tpu.memory_space<vmem>> -> memref<1x125xi32, #tpu.memory_space<vmem>>
      %dma_wait3A_127 = tpu.memref_squeeze %dma_wait3A_126 : memref<1x125xi32, #tpu.memory_space<vmem>> -> memref<125xi32, #tpu.memory_space<vmem>>
      %dma_wait3A_128 = arith.constant 0 : i32
      %dma_wait3A_129 = arith.constant 0 : i32
      %dma_wait3A_130 = tpu.memref_slice %arg10[%dma_wait3A_128, %dma_wait3A_129] : memref<40960x32xf32, #tpu.memory_space<vmem_shared>> -> memref<40960x32xf32, #tpu.memory_space<vmem_shared>>
      tpu.wait_indirect_dma semaphore(%arg13 : memref<!tpu.dma_semaphore, #tpu.memory_space<semaphore_mem>>) src(%dma_wait3A_124 : memref<125x32xf32, #tpu.memory_space<vmem>>) dst(%dma_wait3A_130 : memref<40960x32xf32, #tpu.memory_space<vmem_shared>>)
      %add3A_131 = arith.constant 2 : i32
      %add3A_132 = arith.addi %mul3A_83, %add3A_131 : i32
      %lt3A_133 = arith.constant 160 : i32
      %lt3A_134 = arith.cmpi slt, %add3A_132, %lt3A_133 : i32
      %convert_element_type3A_135 = arith.extui %lt3A_134 : i1 to i32
      %cond3A_136 = arith.constant 0 : i32
      %cond3A_137 = arith.cmpi ne, %convert_element_type3A_135, %cond3A_136 : i32
      scf.if %cond3A_137 {
        %add3A_154 = arith.constant 2 : i32
        %add3A_155 = arith.addi %mul3A_83, %add3A_154 : i32
        %dma_start3A_156 = arith.constant 0 : i32
        %dma_start3A_157 = arith.constant 0 : i32
        %dma_start3A_158 = tpu.memref_slice %arg8[%dma_start3A_156, %dma_start3A_157] : memref<128x32xf32, #tpu.memory_space<vmem>> -> memref<125x32xf32, #tpu.memory_space<vmem>>
        %dma_start3A_159 = arith.constant 0 : i32
        %dma_start3A_160 = tpu.memref_slice %arg6[%add3A_155, %dma_start3A_159] : memref<160x125xi32, #tpu.memory_space<vmem>> -> memref<1x125xi32, #tpu.memory_space<vmem>>
        %dma_start3A_161 = tpu.memref_squeeze %dma_start3A_160 : memref<1x125xi32, #tpu.memory_space<vmem>> -> memref<125xi32, #tpu.memory_space<vmem>>
        %dma_start3A_162 = arith.constant 0 : i32
        %dma_start3A_163 = arith.constant 0 : i32
        %dma_start3A_164 = tpu.memref_slice %arg2[%dma_start3A_162, %dma_start3A_163] : memref<40000x32xf32, #tpu.memory_space<hbm>> -> memref<40000x32xf32, #tpu.memory_space<hbm>>
        tpu.enqueue_indirect_dma source(%dma_start3A_164 : memref<40000x32xf32, #tpu.memory_space<hbm>>) target(%dma_start3A_158 : memref<125x32xf32, #tpu.memory_space<vmem>>) offsets(%dma_start3A_161 : memref<125xi32, #tpu.memory_space<vmem>>) semaphore(%arg11 : memref<!tpu.dma_semaphore, #tpu.memory_space<semaphore_mem>>)
      } else {
      }
      %dma_wait3A_138 = arith.constant 0 : i32
      %dma_wait3A_139 = arith.constant 0 : i32
      %dma_wait3A_140 = tpu.memref_slice %arg9[%dma_wait3A_138, %dma_wait3A_139] : memref<128x32xf32, #tpu.memory_space<vmem>> -> memref<125x32xf32, #tpu.memory_space<vmem>>
      %dma_wait3A_141 = arith.constant 0 : i32
      %dma_wait3A_142 = tpu.memref_slice %arg7[%add3A_85, %dma_wait3A_141] : memref<160x125xi32, #tpu.memory_space<vmem>> -> memref<1x125xi32, #tpu.memory_space<vmem>>
      %dma_wait3A_143 = tpu.memref_squeeze %dma_wait3A_142 : memref<1x125xi32, #tpu.memory_space<vmem>> -> memref<125xi32, #tpu.memory_space<vmem>>
      %dma_wait3A_144 = arith.constant 0 : i32
      %dma_wait3A_145 = arith.constant 0 : i32
      %dma_wait3A_146 = tpu.memref_slice %arg10[%dma_wait3A_144, %dma_wait3A_145] : memref<40960x32xf32, #tpu.memory_space<vmem_shared>> -> memref<40960x32xf32, #tpu.memory_space<vmem_shared>>
      tpu.wait_indirect_dma semaphore(%arg14 : memref<!tpu.dma_semaphore, #tpu.memory_space<semaphore_mem>>) src(%dma_wait3A_140 : memref<125x32xf32, #tpu.memory_space<vmem>>) dst(%dma_wait3A_146 : memref<40960x32xf32, #tpu.memory_space<vmem_shared>>)
      %add3A_147 = arith.constant 2 : i32
      %add3A_148 = arith.addi %add3A_85, %add3A_147 : i32
      %lt3A_149 = arith.constant 160 : i32
      %lt3A_150 = arith.cmpi slt, %add3A_148, %lt3A_149 : i32
      %convert_element_type3A_151 = arith.extui %lt3A_150 : i1 to i32
      %cond3A_152 = arith.constant 0 : i32
      %cond3A_153 = arith.cmpi ne, %convert_element_type3A_151, %cond3A_152 : i32
      scf.if %cond3A_153 {
        %add3A_154 = arith.constant 2 : i32
        %add3A_155 = arith.addi %add3A_85, %add3A_154 : i32
        %dma_start3A_156 = arith.constant 0 : i32
        %dma_start3A_157 = arith.constant 0 : i32
        %dma_start3A_158 = tpu.memref_slice %arg9[%dma_start3A_156, %dma_start3A_157] : memref<128x32xf32, #tpu.memory_space<vmem>> -> memref<125x32xf32, #tpu.memory_space<vmem>>
        %dma_start3A_159 = arith.constant 0 : i32
        %dma_start3A_160 = tpu.memref_slice %arg6[%add3A_155, %dma_start3A_159] : memref<160x125xi32, #tpu.memory_space<vmem>> -> memref<1x125xi32, #tpu.memory_space<vmem>>
        %dma_start3A_161 = tpu.memref_squeeze %dma_start3A_160 : memref<1x125xi32, #tpu.memory_space<vmem>> -> memref<125xi32, #tpu.memory_space<vmem>>
        %dma_start3A_162 = arith.constant 0 : i32
        %dma_start3A_163 = arith.constant 0 : i32
        %dma_start3A_164 = tpu.memref_slice %arg2[%dma_start3A_162, %dma_start3A_163] : memref<40000x32xf32, #tpu.memory_space<hbm>> -> memref<40000x32xf32, #tpu.memory_space<hbm>>
        tpu.enqueue_indirect_dma source(%dma_start3A_164 : memref<40000x32xf32, #tpu.memory_space<hbm>>) target(%dma_start3A_158 : memref<125x32xf32, #tpu.memory_space<vmem>>) offsets(%dma_start3A_161 : memref<125xi32, #tpu.memory_space<vmem>>) semaphore(%arg12 : memref<!tpu.dma_semaphore, #tpu.memory_space<semaphore_mem>>)
      } else {
      }
    }
    %scan3A_73 = arith.constant 80 : i32
    %barrier3A_74 = arith.constant 0 : index
    tpu.barrier barrier_id(%barrier3A_74)
    %lt3A = arith.constant 15 : i32
    %lt3A_75 = arith.cmpi slt, %arg1, %lt3A : i32
    %convert_element_type3A = arith.extui %lt3A_75 : i1 to i32
    %cond3A = arith.constant 0 : i32
    %cond3A_76 = arith.cmpi ne, %convert_element_type3A, %cond3A : i32
    scf.if %cond3A_76 {
      %mul3A_81 = arith.constant 2496 : i32
      %mul3A_82 = arith.muli %arg1, %mul3A_81 : i32
      %mul3A_83 = arith.constant 2496 : i32
      %mul3A_84 = arith.muli %arg1, %mul3A_83 : i32
      "tpu.region"() ({
        %run_scoped3A = tpu.sem_alloc : memref<!tpu.dma_semaphore, #tpu.memory_space<semaphore_mem>>
        %dma_start3A_85 = arith.constant 0 : i32
        %dma_start3A_86 = tpu.memref_slice %arg5[%arg0, %mul3A_84, %dma_start3A_85] : memref<2x40000x32xf32, #tpu.memory_space<hbm>> -> memref<1x2496x32xf32, #tpu.memory_space<hbm>>
        %dma_start3A_87 = tpu.memref_squeeze %dma_start3A_86 : memref<1x2496x32xf32, #tpu.memory_space<hbm>> -> memref<2496x32xf32, #tpu.memory_space<hbm>>
        %dma_start3A_88 = arith.constant 0 : i32
        %dma_start3A_89 = tpu.memref_slice %arg10[%mul3A_82, %dma_start3A_88] : memref<40960x32xf32, #tpu.memory_space<vmem_shared>> -> memref<2496x32xf32, #tpu.memory_space<vmem_shared>>
        tpu.enqueue_dma source(%dma_start3A_89 : memref<2496x32xf32, #tpu.memory_space<vmem_shared>>) target(%dma_start3A_87 : memref<2496x32xf32, #tpu.memory_space<hbm>>) target_semaphore(%run_scoped3A : memref<!tpu.dma_semaphore, #tpu.memory_space<semaphore_mem>>)
        %dma_wait3A_90 = arith.constant 0 : i32
        %dma_wait3A_91 = tpu.memref_slice %arg5[%arg0, %mul3A_84, %dma_wait3A_90] : memref<2x40000x32xf32, #tpu.memory_space<hbm>> -> memref<1x2496x32xf32, #tpu.memory_space<hbm>>
        %dma_wait3A_92 = tpu.memref_squeeze %dma_wait3A_91 : memref<1x2496x32xf32, #tpu.memory_space<hbm>> -> memref<2496x32xf32, #tpu.memory_space<hbm>>
        %dma_wait3A_93 = arith.constant 0 : i32
        %dma_wait3A_94 = tpu.memref_slice %arg10[%mul3A_82, %dma_wait3A_93] : memref<40960x32xf32, #tpu.memory_space<vmem_shared>> -> memref<2496x32xf32, #tpu.memory_space<vmem_shared>>
        tpu.wait_dma2 semaphore(%run_scoped3A : memref<!tpu.dma_semaphore, #tpu.memory_space<semaphore_mem>>) src(%dma_wait3A_94 : memref<2496x32xf32, #tpu.memory_space<vmem_shared>>) dst(%dma_wait3A_92 : memref<2496x32xf32, #tpu.memory_space<hbm>>)
        tpu.yield
      }) : () -> ()
    } else {
    }
    %eq3A = arith.constant 15 : i32
    %eq3A_77 = arith.cmpi eq, %arg1, %eq3A : i32
    %convert_element_type3A_78 = arith.extui %eq3A_77 : i1 to i32
    %cond3A_79 = arith.constant 0 : i32
    %cond3A_80 = arith.cmpi ne, %convert_element_type3A_78, %cond3A_79 : i32
    scf.if %cond3A_80 {
      "tpu.region"() ({
        %run_scoped3A = tpu.sem_alloc : memref<!tpu.dma_semaphore, #tpu.memory_space<semaphore_mem>>
        %dma_start3A_81 = arith.constant 37440 : i32
        %dma_start3A_82 = arith.constant 0 : i32
        %dma_start3A_83 = tpu.memref_slice %arg5[%arg0, %dma_start3A_81, %dma_start3A_82] : memref<2x40000x32xf32, #tpu.memory_space<hbm>> -> memref<1x2560x32xf32, #tpu.memory_space<hbm>>
        %dma_start3A_84 = tpu.memref_squeeze %dma_start3A_83 : memref<1x2560x32xf32, #tpu.memory_space<hbm>> -> memref<2560x32xf32, #tpu.memory_space<hbm>>
        %dma_start3A_85 = arith.constant 37440 : i32
        %dma_start3A_86 = arith.constant 0 : i32
        %dma_start3A_87 = tpu.memref_slice %arg10[%dma_start3A_85, %dma_start3A_86] : memref<40960x32xf32, #tpu.memory_space<vmem_shared>> -> memref<2560x32xf32, #tpu.memory_space<vmem_shared>>
        tpu.enqueue_dma source(%dma_start3A_87 : memref<2560x32xf32, #tpu.memory_space<vmem_shared>>) target(%dma_start3A_84 : memref<2560x32xf32, #tpu.memory_space<hbm>>) target_semaphore(%run_scoped3A : memref<!tpu.dma_semaphore, #tpu.memory_space<semaphore_mem>>)
        %dma_wait3A_88 = arith.constant 37440 : i32
        %dma_wait3A_89 = arith.constant 0 : i32
        %dma_wait3A_90 = tpu.memref_slice %arg5[%arg0, %dma_wait3A_88, %dma_wait3A_89] : memref<2x40000x32xf32, #tpu.memory_space<hbm>> -> memref<1x2560x32xf32, #tpu.memory_space<hbm>>
        %dma_wait3A_91 = tpu.memref_squeeze %dma_wait3A_90 : memref<1x2560x32xf32, #tpu.memory_space<hbm>> -> memref<2560x32xf32, #tpu.memory_space<hbm>>
        %dma_wait3A_92 = arith.constant 37440 : i32
        %dma_wait3A_93 = arith.constant 0 : i32
        %dma_wait3A_94 = tpu.memref_slice %arg10[%dma_wait3A_92, %dma_wait3A_93] : memref<40960x32xf32, #tpu.memory_space<vmem_shared>> -> memref<2560x32xf32, #tpu.memory_space<vmem_shared>>
        tpu.wait_dma2 semaphore(%run_scoped3A : memref<!tpu.dma_semaphore, #tpu.memory_space<semaphore_mem>>) src(%dma_wait3A_94 : memref<2560x32xf32, #tpu.memory_space<vmem_shared>>) dst(%dma_wait3A_91 : memref<2560x32xf32, #tpu.memory_space<hbm>>)
        tpu.yield
      }) : () -> ()
    } else {
    }
    return
  }
}

#map = affine_map<(d0, d1) -> (0, 0)>
#map1 = affine_map<(d0, d1) -> (0, 0, 0)>
module attributes {stable_mosaic.version = 14 : i64} {
  func.func @_segsum_sc(%arg0: i32, %arg1: i32, %arg2: memref<40000x32xf32, #tpu.memory_space<hbm>>, %arg3: memref<32x160x125xi32, #tpu.memory_space<hbm>>, %arg4: memref<32x160x125xi32, #tpu.memory_space<hbm>>, %arg5: memref<2x40000x32xf32, #tpu.memory_space<hbm>>, %arg6: memref<160x125xi32, #tpu.memory_space<vmem>>, %arg7: memref<160x125xi32, #tpu.memory_space<vmem>>, %arg8: memref<128x32xf32, #tpu.memory_space<vmem>>, %arg9: memref<128x32xf32, #tpu.memory_space<vmem>>, %arg10: memref<40960x32xf32, #tpu.memory_space<vmem_shared>>, %arg11: memref<!tpu.dma_semaphore, #tpu.memory_space<semaphore_mem>>, %arg12: memref<!tpu.dma_semaphore, #tpu.memory_space<semaphore_mem>>, %arg13: memref<!tpu.dma_semaphore, #tpu.memory_space<semaphore_mem>>, %arg14: memref<!tpu.dma_semaphore, #tpu.memory_space<semaphore_mem>>) attributes {dimension_semantics = [#tpu.dimension_semantics<core_parallel>, #tpu.dimension_semantics<subcore_parallel>], iteration_bounds = array<i64: 2, 16>, scalar_prefetch = 0 : i64, scratch_operands = 9 : i64, tpu.core_type = #tpu.core_type<sc_vector_subcore>, window_params = [{transform_indices = #map}, {transform_indices = #map1}, {transform_indices = #map1}, {transform_indices = #map1}]} {
    %mul3A = arith.constant 16 : i32
    %mul3A_0 = arith.muli %arg0, %mul3A : i32
    %add3A = arith.addi %mul3A_0, %arg1 : i32
    %scan3A = arith.constant 0 : i32
    %scan3A_1 = arith.constant 0 : i32
    %scan3A_2 = arith.constant 128 : i32
    %scan3A_3 = arith.addi %scan3A_1, %scan3A_2 : i32
    %scan3A_4 = arith.constant 1 : i32
    scf.for %scan3A_81 = %scan3A_1 to %scan3A_3 step %scan3A_4  : i32 {
      %broadcast_in_dim3A = arith.constant 0.000000e+00 : f32
      %broadcast_in_dim3A_82 = vector.broadcast %broadcast_in_dim3A : f32 to vector<16xf32>
      %swap3A = arith.index_cast %scan3A_81 : i32 to index
      %swap3A_83 = arith.constant 0 : index
      %swap3A_84 = tpu.vector_load %arg8[%swap3A, %swap3A_83] {strides = array<i32>} : memref<128x32xf32, #tpu.memory_space<vmem>>, vector<1x16xf32>,
      %swap3A_85 = vector.shape_cast %swap3A_84 : vector<1x16xf32> to vector<16xf32>
      %swap3A_86 = vector.shape_cast %broadcast_in_dim3A_82 : vector<16xf32> to vector<1x16xf32>
      tpu.vector_store %arg8[%swap3A, %swap3A_83], %swap3A_86 {strides = array<i32>} : memref<128x32xf32, #tpu.memory_space<vmem>>, vector<1x16xf32>,
      %broadcast_in_dim3A_87 = arith.constant 0.000000e+00 : f32
      %broadcast_in_dim3A_88 = vector.broadcast %broadcast_in_dim3A_87 : f32 to vector<16xf32>
      %swap3A_89 = arith.index_cast %scan3A_81 : i32 to index
      %swap3A_90 = arith.constant 16 : index
      %swap3A_91 = tpu.vector_load %arg8[%swap3A_89, %swap3A_90] {strides = array<i32>} : memref<128x32xf32, #tpu.memory_space<vmem>>, vector<1x16xf32>,
      %swap3A_92 = vector.shape_cast %swap3A_91 : vector<1x16xf32> to vector<16xf32>
      %swap3A_93 = vector.shape_cast %broadcast_in_dim3A_88 : vector<16xf32> to vector<1x16xf32>
      tpu.vector_store %arg8[%swap3A_89, %swap3A_90], %swap3A_93 {strides = array<i32>} : memref<128x32xf32, #tpu.memory_space<vmem>>, vector<1x16xf32>,
    }
    %scan3A_5 = arith.constant 128 : i32
    %scan3A_6 = arith.constant 0 : i32
    %scan3A_7 = arith.constant 0 : i32
    %scan3A_8 = arith.constant 20 : i32
    %scan3A_9 = arith.addi %scan3A_7, %scan3A_8 : i32
    %scan3A_10 = arith.constant 1 : i32
    scf.for %scan3A_81 = %scan3A_7 to %scan3A_9 step %scan3A_10  : i32 {
      %mul3A_82 = arith.constant 2560 : i32
      %mul3A_83 = arith.muli %arg1, %mul3A_82 : i32
      %mul3A_84 = arith.constant 128 : i32
      %mul3A_85 = arith.muli %scan3A_81, %mul3A_84 : i32
      %add3A_86 = arith.addi %mul3A_83, %mul3A_85 : i32
      %dma_start3A_87 = arith.constant 0 : i32
      %dma_start3A_88 = tpu.memref_slice %arg10[%add3A_86, %dma_start3A_87] : memref<40960x32xf32, #tpu.memory_space<vmem_shared>> -> memref<128x32xf32, #tpu.memory_space<vmem_shared>>
      %dma_start3A_89 = arith.constant 0 : i32
      %dma_start3A_90 = tpu.memref_slice %arg10[%add3A_86, %dma_start3A_89] : memref<40960x32xf32, #tpu.memory_space<vmem_shared>> -> memref<128x32xf32, #tpu.memory_space<vmem_shared>>
      tpu.enqueue_dma source(%arg8 : memref<128x32xf32, #tpu.memory_space<vmem>>) target(%dma_start3A_90 : memref<128x32xf32, #tpu.memory_space<vmem_shared>>) target_semaphore(%arg13 : memref<!tpu.dma_semaphore, #tpu.memory_space<semaphore_mem>>)
    }
    %scan3A_11 = arith.constant 20 : i32
    %dma_start3A = arith.constant 0 : i32
    %dma_start3A_12 = arith.constant 0 : i32
    %dma_start3A_13 = tpu.memref_slice %arg3[%add3A, %dma_start3A, %dma_start3A_12] : memref<32x160x125xi32, #tpu.memory_space<hbm>> -> memref<1x160x125xi32, #tpu.memory_space<hbm>>
    %dma_start3A_14 = tpu.memref_squeeze %dma_start3A_13 : memref<1x160x125xi32, #tpu.memory_space<hbm>> -> memref<160x125xi32, #tpu.memory_space<hbm>>
    %dma_start3A_15 = arith.constant 0 : i32
    %dma_start3A_16 = arith.constant 0 : i32
    %dma_start3A_17 = tpu.memref_slice %arg3[%add3A, %dma_start3A_15, %dma_start3A_16] : memref<32x160x125xi32, #tpu.memory_space<hbm>> -> memref<1x160x125xi32, #tpu.memory_space<hbm>>
    %dma_start3A_18 = tpu.memref_squeeze %dma_start3A_17 : memref<1x160x125xi32, #tpu.memory_space<hbm>> -> memref<160x125xi32, #tpu.memory_space<hbm>>
    tpu.enqueue_dma source(%dma_start3A_18 : memref<160x125xi32, #tpu.memory_space<hbm>>) target(%arg6 : memref<160x125xi32, #tpu.memory_space<vmem>>) target_semaphore(%arg11 : memref<!tpu.dma_semaphore, #tpu.memory_space<semaphore_mem>>)
    %dma_start3A_19 = arith.constant 0 : i32
    %dma_start3A_20 = arith.constant 0 : i32
    %dma_start3A_21 = tpu.memref_slice %arg4[%add3A, %dma_start3A_19, %dma_start3A_20] : memref<32x160x125xi32, #tpu.memory_space<hbm>> -> memref<1x160x125xi32, #tpu.memory_space<hbm>>
    %dma_start3A_22 = tpu.memref_squeeze %dma_start3A_21 : memref<1x160x125xi32, #tpu.memory_space<hbm>> -> memref<160x125xi32, #tpu.memory_space<hbm>>
    %dma_start3A_23 = arith.constant 0 : i32
    %dma_start3A_24 = arith.constant 0 : i32
    %dma_start3A_25 = tpu.memref_slice %arg4[%add3A, %dma_start3A_23, %dma_start3A_24] : memref<32x160x125xi32, #tpu.memory_space<hbm>> -> memref<1x160x125xi32, #tpu.memory_space<hbm>>
    %dma_start3A_26 = tpu.memref_squeeze %dma_start3A_25 : memref<1x160x125xi32, #tpu.memory_space<hbm>> -> memref<160x125xi32, #tpu.memory_space<hbm>>
    tpu.enqueue_dma source(%dma_start3A_26 : memref<160x125xi32, #tpu.memory_space<hbm>>) target(%arg7 : memref<160x125xi32, #tpu.memory_space<vmem>>) target_semaphore(%arg12 : memref<!tpu.dma_semaphore, #tpu.memory_space<semaphore_mem>>)
    %scan3A_27 = arith.constant 0 : i32
    %scan3A_28 = arith.constant 0 : i32
    %scan3A_29 = arith.constant 20 : i32
    %scan3A_30 = arith.addi %scan3A_28, %scan3A_29 : i32
    %scan3A_31 = arith.constant 1 : i32
    scf.for %scan3A_81 = %scan3A_28 to %scan3A_30 step %scan3A_31  : i32 {
      %mul3A_82 = arith.constant 2560 : i32
      %mul3A_83 = arith.muli %arg1, %mul3A_82 : i32
      %mul3A_84 = arith.constant 128 : i32
      %mul3A_85 = arith.muli %scan3A_81, %mul3A_84 : i32
      %add3A_86 = arith.addi %mul3A_83, %mul3A_85 : i32
      %dma_wait3A_87 = arith.constant 0 : i32
      %dma_wait3A_88 = tpu.memref_slice %arg10[%add3A_86, %dma_wait3A_87] : memref<40960x32xf32, #tpu.memory_space<vmem_shared>> -> memref<128x32xf32, #tpu.memory_space<vmem_shared>>
      %dma_wait3A_89 = arith.constant 0 : i32
      %dma_wait3A_90 = tpu.memref_slice %arg10[%add3A_86, %dma_wait3A_89] : memref<40960x32xf32, #tpu.memory_space<vmem_shared>> -> memref<128x32xf32, #tpu.memory_space<vmem_shared>>
      tpu.wait_dma2 semaphore(%arg13 : memref<!tpu.dma_semaphore, #tpu.memory_space<semaphore_mem>>) src(%arg8 : memref<128x32xf32, #tpu.memory_space<vmem>>) dst(%dma_wait3A_90 : memref<128x32xf32, #tpu.memory_space<vmem_shared>>)
    }
    %scan3A_32 = arith.constant 20 : i32
    %dma_wait3A = arith.constant 0 : i32
    %dma_wait3A_33 = arith.constant 0 : i32
    %dma_wait3A_34 = tpu.memref_slice %arg3[%add3A, %dma_wait3A, %dma_wait3A_33] : memref<32x160x125xi32, #tpu.memory_space<hbm>> -> memref<1x160x125xi32, #tpu.memory_space<hbm>>
    %dma_wait3A_35 = tpu.memref_squeeze %dma_wait3A_34 : memref<1x160x125xi32, #tpu.memory_space<hbm>> -> memref<160x125xi32, #tpu.memory_space<hbm>>
    %dma_wait3A_36 = arith.constant 0 : i32
    %dma_wait3A_37 = arith.constant 0 : i32
    %dma_wait3A_38 = tpu.memref_slice %arg3[%add3A, %dma_wait3A_36, %dma_wait3A_37] : memref<32x160x125xi32, #tpu.memory_space<hbm>> -> memref<1x160x125xi32, #tpu.memory_space<hbm>>
    %dma_wait3A_39 = tpu.memref_squeeze %dma_wait3A_38 : memref<1x160x125xi32, #tpu.memory_space<hbm>> -> memref<160x125xi32, #tpu.memory_space<hbm>>
    tpu.wait_dma2 semaphore(%arg11 : memref<!tpu.dma_semaphore, #tpu.memory_space<semaphore_mem>>) src(%dma_wait3A_39 : memref<160x125xi32, #tpu.memory_space<hbm>>) dst(%arg6 : memref<160x125xi32, #tpu.memory_space<vmem>>)
    %dma_wait3A_40 = arith.constant 0 : i32
    %dma_wait3A_41 = arith.constant 0 : i32
    %dma_wait3A_42 = tpu.memref_slice %arg4[%add3A, %dma_wait3A_40, %dma_wait3A_41] : memref<32x160x125xi32, #tpu.memory_space<hbm>> -> memref<1x160x125xi32, #tpu.memory_space<hbm>>
    %dma_wait3A_43 = tpu.memref_squeeze %dma_wait3A_42 : memref<1x160x125xi32, #tpu.memory_space<hbm>> -> memref<160x125xi32, #tpu.memory_space<hbm>>
    %dma_wait3A_44 = arith.constant 0 : i32
    %dma_wait3A_45 = arith.constant 0 : i32
    %dma_wait3A_46 = tpu.memref_slice %arg4[%add3A, %dma_wait3A_44, %dma_wait3A_45] : memref<32x160x125xi32, #tpu.memory_space<hbm>> -> memref<1x160x125xi32, #tpu.memory_space<hbm>>
    %dma_wait3A_47 = tpu.memref_squeeze %dma_wait3A_46 : memref<1x160x125xi32, #tpu.memory_space<hbm>> -> memref<160x125xi32, #tpu.memory_space<hbm>>
    tpu.wait_dma2 semaphore(%arg12 : memref<!tpu.dma_semaphore, #tpu.memory_space<semaphore_mem>>) src(%dma_wait3A_47 : memref<160x125xi32, #tpu.memory_space<hbm>>) dst(%arg7 : memref<160x125xi32, #tpu.memory_space<vmem>>)
    %barrier3A = arith.constant 0 : index
    tpu.barrier barrier_id(%barrier3A)
    %dma_start3A_48 = arith.constant 0 : i32
    %dma_start3A_49 = arith.constant 0 : i32
    %dma_start3A_50 = arith.constant 0 : i32
    %dma_start3A_51 = tpu.memref_slice %arg8[%dma_start3A_49, %dma_start3A_50] : memref<128x32xf32, #tpu.memory_space<vmem>> -> memref<125x32xf32, #tpu.memory_space<vmem>>
    %dma_start3A_52 = arith.constant 0 : i32
    %dma_start3A_53 = tpu.memref_slice %arg6[%dma_start3A_48, %dma_start3A_52] : memref<160x125xi32, #tpu.memory_space<vmem>> -> memref<1x125xi32, #tpu.memory_space<vmem>>
    %dma_start3A_54 = tpu.memref_squeeze %dma_start3A_53 : memref<1x125xi32, #tpu.memory_space<vmem>> -> memref<125xi32, #tpu.memory_space<vmem>>
    %dma_start3A_55 = arith.constant 0 : i32
    %dma_start3A_56 = arith.constant 0 : i32
    %dma_start3A_57 = tpu.memref_slice %arg2[%dma_start3A_55, %dma_start3A_56] : memref<40000x32xf32, #tpu.memory_space<hbm>> -> memref<40000x32xf32, #tpu.memory_space<hbm>>
    tpu.enqueue_indirect_dma source(%dma_start3A_57 : memref<40000x32xf32, #tpu.memory_space<hbm>>) target(%dma_start3A_51 : memref<125x32xf32, #tpu.memory_space<vmem>>) offsets(%dma_start3A_54 : memref<125xi32, #tpu.memory_space<vmem>>) semaphore(%arg11 : memref<!tpu.dma_semaphore, #tpu.memory_space<semaphore_mem>>)
    %dma_start3A_58 = arith.constant 1 : i32
    %dma_start3A_59 = arith.constant 0 : i32
    %dma_start3A_60 = arith.constant 0 : i32
    %dma_start3A_61 = tpu.memref_slice %arg9[%dma_start3A_59, %dma_start3A_60] : memref<128x32xf32, #tpu.memory_space<vmem>> -> memref<125x32xf32, #tpu.memory_space<vmem>>
    %dma_start3A_62 = arith.constant 0 : i32
    %dma_start3A_63 = tpu.memref_slice %arg6[%dma_start3A_58, %dma_start3A_62] : memref<160x125xi32, #tpu.memory_space<vmem>> -> memref<1x125xi32, #tpu.memory_space<vmem>>
    %dma_start3A_64 = tpu.memref_squeeze %dma_start3A_63 : memref<1x125xi32, #tpu.memory_space<vmem>> -> memref<125xi32, #tpu.memory_space<vmem>>
    %dma_start3A_65 = arith.constant 0 : i32
    %dma_start3A_66 = arith.constant 0 : i32
    %dma_start3A_67 = tpu.memref_slice %arg2[%dma_start3A_65, %dma_start3A_66] : memref<40000x32xf32, #tpu.memory_space<hbm>> -> memref<40000x32xf32, #tpu.memory_space<hbm>>
    tpu.enqueue_indirect_dma source(%dma_start3A_67 : memref<40000x32xf32, #tpu.memory_space<hbm>>) target(%dma_start3A_61 : memref<125x32xf32, #tpu.memory_space<vmem>>) offsets(%dma_start3A_64 : memref<125xi32, #tpu.memory_space<vmem>>) semaphore(%arg12 : memref<!tpu.dma_semaphore, #tpu.memory_space<semaphore_mem>>)
    %scan3A_68 = arith.constant 0 : i32
    %scan3A_69 = arith.constant 0 : i32
    %scan3A_70 = arith.constant 80 : i32
    %scan3A_71 = arith.addi %scan3A_69, %scan3A_70 : i32
    %scan3A_72 = arith.constant 1 : i32
    scf.for %scan3A_81 = %scan3A_69 to %scan3A_71 step %scan3A_72  : i32 {
      %mul3A_82 = arith.constant 2 : i32
      %mul3A_83 = arith.muli %mul3A_82, %scan3A_81 : i32
      %add3A_84 = arith.constant 1 : i32
      %add3A_85 = arith.addi %mul3A_83, %add3A_84 : i32
      %dma_wait3A_86 = arith.constant 0 : i32
      %dma_wait3A_87 = arith.constant 0 : i32
      %dma_wait3A_88 = tpu.memref_slice %arg8[%dma_wait3A_86, %dma_wait3A_87] : memref<128x32xf32, #tpu.memory_space<vmem>> -> memref<125x32xf32, #tpu.memory_space<vmem>>
      %dma_wait3A_89 = arith.constant 0 : i32
      %dma_wait3A_90 = tpu.memref_slice %arg6[%mul3A_83, %dma_wait3A_89] : memref<160x125xi32, #tpu.memory_space<vmem>> -> memref<1x125xi32, #tpu.memory_space<vmem>>
      %dma_wait3A_91 = tpu.memref_squeeze %dma_wait3A_90 : memref<1x125xi32, #tpu.memory_space<vmem>> -> memref<125xi32, #tpu.memory_space<vmem>>
      %dma_wait3A_92 = arith.constant 0 : i32
      %dma_wait3A_93 = arith.constant 0 : i32
      %dma_wait3A_94 = tpu.memref_slice %arg2[%dma_wait3A_92, %dma_wait3A_93] : memref<40000x32xf32, #tpu.memory_space<hbm>> -> memref<40000x32xf32, #tpu.memory_space<hbm>>
      tpu.wait_indirect_dma semaphore(%arg11 : memref<!tpu.dma_semaphore, #tpu.memory_space<semaphore_mem>>) src(%dma_wait3A_94 : memref<40000x32xf32, #tpu.memory_space<hbm>>) dst(%dma_wait3A_88 : memref<125x32xf32, #tpu.memory_space<vmem>>)
      %dma_start3A_95 = arith.constant 0 : i32
      %dma_start3A_96 = arith.constant 0 : i32
      %dma_start3A_97 = tpu.memref_slice %arg8[%dma_start3A_95, %dma_start3A_96] : memref<128x32xf32, #tpu.memory_space<vmem>> -> memref<125x32xf32, #tpu.memory_space<vmem>>
      %dma_start3A_98 = arith.constant 0 : i32
      %dma_start3A_99 = tpu.memref_slice %arg7[%mul3A_83, %dma_start3A_98] : memref<160x125xi32, #tpu.memory_space<vmem>> -> memref<1x125xi32, #tpu.memory_space<vmem>>
      %dma_start3A_100 = tpu.memref_squeeze %dma_start3A_99 : memref<1x125xi32, #tpu.memory_space<vmem>> -> memref<125xi32, #tpu.memory_space<vmem>>
      %dma_start3A_101 = arith.constant 0 : i32
      %dma_start3A_102 = arith.constant 0 : i32
      %dma_start3A_103 = tpu.memref_slice %arg10[%dma_start3A_101, %dma_start3A_102] : memref<40960x32xf32, #tpu.memory_space<vmem_shared>> -> memref<40960x32xf32, #tpu.memory_space<vmem_shared>>
      tpu.enqueue_indirect_dma source(%dma_start3A_97 : memref<125x32xf32, #tpu.memory_space<vmem>>) target(%dma_start3A_103 : memref<40960x32xf32, #tpu.memory_space<vmem_shared>>) offsets(%dma_start3A_100 : memref<125xi32, #tpu.memory_space<vmem>>) semaphore(%arg13 : memref<!tpu.dma_semaphore, #tpu.memory_space<semaphore_mem>>) {add = true}
      %dma_wait3A_104 = arith.constant 0 : i32
      %dma_wait3A_105 = arith.constant 0 : i32
      %dma_wait3A_106 = tpu.memref_slice %arg9[%dma_wait3A_104, %dma_wait3A_105] : memref<128x32xf32, #tpu.memory_space<vmem>> -> memref<125x32xf32, #tpu.memory_space<vmem>>
      %dma_wait3A_107 = arith.constant 0 : i32
      %dma_wait3A_108 = tpu.memref_slice %arg6[%add3A_85, %dma_wait3A_107] : memref<160x125xi32, #tpu.memory_space<vmem>> -> memref<1x125xi32, #tpu.memory_space<vmem>>
      %dma_wait3A_109 = tpu.memref_squeeze %dma_wait3A_108 : memref<1x125xi32, #tpu.memory_space<vmem>> -> memref<125xi32, #tpu.memory_space<vmem>>
      %dma_wait3A_110 = arith.constant 0 : i32
      %dma_wait3A_111 = arith.constant 0 : i32
      %dma_wait3A_112 = tpu.memref_slice %arg2[%dma_wait3A_110, %dma_wait3A_111] : memref<40000x32xf32, #tpu.memory_space<hbm>> -> memref<40000x32xf32, #tpu.memory_space<hbm>>
      tpu.wait_indirect_dma semaphore(%arg12 : memref<!tpu.dma_semaphore, #tpu.memory_space<semaphore_mem>>) src(%dma_wait3A_112 : memref<40000x32xf32, #tpu.memory_space<hbm>>) dst(%dma_wait3A_106 : memref<125x32xf32, #tpu.memory_space<vmem>>)
      %dma_start3A_113 = arith.constant 0 : i32
      %dma_start3A_114 = arith.constant 0 : i32
      %dma_start3A_115 = tpu.memref_slice %arg9[%dma_start3A_113, %dma_start3A_114] : memref<128x32xf32, #tpu.memory_space<vmem>> -> memref<125x32xf32, #tpu.memory_space<vmem>>
      %dma_start3A_116 = arith.constant 0 : i32
      %dma_start3A_117 = tpu.memref_slice %arg7[%add3A_85, %dma_start3A_116] : memref<160x125xi32, #tpu.memory_space<vmem>> -> memref<1x125xi32, #tpu.memory_space<vmem>>
      %dma_start3A_118 = tpu.memref_squeeze %dma_start3A_117 : memref<1x125xi32, #tpu.memory_space<vmem>> -> memref<125xi32, #tpu.memory_space<vmem>>
      %dma_start3A_119 = arith.constant 0 : i32
      %dma_start3A_120 = arith.constant 0 : i32
      %dma_start3A_121 = tpu.memref_slice %arg10[%dma_start3A_119, %dma_start3A_120] : memref<40960x32xf32, #tpu.memory_space<vmem_shared>> -> memref<40960x32xf32, #tpu.memory_space<vmem_shared>>
      tpu.enqueue_indirect_dma source(%dma_start3A_115 : memref<125x32xf32, #tpu.memory_space<vmem>>) target(%dma_start3A_121 : memref<40960x32xf32, #tpu.memory_space<vmem_shared>>) offsets(%dma_start3A_118 : memref<125xi32, #tpu.memory_space<vmem>>) semaphore(%arg14 : memref<!tpu.dma_semaphore, #tpu.memory_space<semaphore_mem>>) {add = true}
      %dma_wait3A_122 = arith.constant 0 : i32
      %dma_wait3A_123 = arith.constant 0 : i32
      %dma_wait3A_124 = tpu.memref_slice %arg8[%dma_wait3A_122, %dma_wait3A_123] : memref<128x32xf32, #tpu.memory_space<vmem>> -> memref<125x32xf32, #tpu.memory_space<vmem>>
      %dma_wait3A_125 = arith.constant 0 : i32
      %dma_wait3A_126 = tpu.memref_slice %arg7[%mul3A_83, %dma_wait3A_125] : memref<160x125xi32, #tpu.memory_space<vmem>> -> memref<1x125xi32, #tpu.memory_space<vmem>>
      %dma_wait3A_127 = tpu.memref_squeeze %dma_wait3A_126 : memref<1x125xi32, #tpu.memory_space<vmem>> -> memref<125xi32, #tpu.memory_space<vmem>>
      %dma_wait3A_128 = arith.constant 0 : i32
      %dma_wait3A_129 = arith.constant 0 : i32
      %dma_wait3A_130 = tpu.memref_slice %arg10[%dma_wait3A_128, %dma_wait3A_129] : memref<40960x32xf32, #tpu.memory_space<vmem_shared>> -> memref<40960x32xf32, #tpu.memory_space<vmem_shared>>
      tpu.wait_indirect_dma semaphore(%arg13 : memref<!tpu.dma_semaphore, #tpu.memory_space<semaphore_mem>>) src(%dma_wait3A_124 : memref<125x32xf32, #tpu.memory_space<vmem>>) dst(%dma_wait3A_130 : memref<40960x32xf32, #tpu.memory_space<vmem_shared>>)
      %add3A_131 = arith.constant 2 : i32
      %add3A_132 = arith.addi %mul3A_83, %add3A_131 : i32
      %lt3A_133 = arith.constant 160 : i32
      %lt3A_134 = arith.cmpi slt, %add3A_132, %lt3A_133 : i32
      %convert_element_type3A_135 = arith.extui %lt3A_134 : i1 to i32
      %cond3A_136 = arith.constant 0 : i32
      %cond3A_137 = arith.cmpi ne, %convert_element_type3A_135, %cond3A_136 : i32
      scf.if %cond3A_137 {
        %add3A_154 = arith.constant 2 : i32
        %add3A_155 = arith.addi %mul3A_83, %add3A_154 : i32
        %dma_start3A_156 = arith.constant 0 : i32
        %dma_start3A_157 = arith.constant 0 : i32
        %dma_start3A_158 = tpu.memref_slice %arg8[%dma_start3A_156, %dma_start3A_157] : memref<128x32xf32, #tpu.memory_space<vmem>> -> memref<125x32xf32, #tpu.memory_space<vmem>>
        %dma_start3A_159 = arith.constant 0 : i32
        %dma_start3A_160 = tpu.memref_slice %arg6[%add3A_155, %dma_start3A_159] : memref<160x125xi32, #tpu.memory_space<vmem>> -> memref<1x125xi32, #tpu.memory_space<vmem>>
        %dma_start3A_161 = tpu.memref_squeeze %dma_start3A_160 : memref<1x125xi32, #tpu.memory_space<vmem>> -> memref<125xi32, #tpu.memory_space<vmem>>
        %dma_start3A_162 = arith.constant 0 : i32
        %dma_start3A_163 = arith.constant 0 : i32
        %dma_start3A_164 = tpu.memref_slice %arg2[%dma_start3A_162, %dma_start3A_163] : memref<40000x32xf32, #tpu.memory_space<hbm>> -> memref<40000x32xf32, #tpu.memory_space<hbm>>
        tpu.enqueue_indirect_dma source(%dma_start3A_164 : memref<40000x32xf32, #tpu.memory_space<hbm>>) target(%dma_start3A_158 : memref<125x32xf32, #tpu.memory_space<vmem>>) offsets(%dma_start3A_161 : memref<125xi32, #tpu.memory_space<vmem>>) semaphore(%arg11 : memref<!tpu.dma_semaphore, #tpu.memory_space<semaphore_mem>>)
      } else {
      }
      %dma_wait3A_138 = arith.constant 0 : i32
      %dma_wait3A_139 = arith.constant 0 : i32
      %dma_wait3A_140 = tpu.memref_slice %arg9[%dma_wait3A_138, %dma_wait3A_139] : memref<128x32xf32, #tpu.memory_space<vmem>> -> memref<125x32xf32, #tpu.memory_space<vmem>>
      %dma_wait3A_141 = arith.constant 0 : i32
      %dma_wait3A_142 = tpu.memref_slice %arg7[%add3A_85, %dma_wait3A_141] : memref<160x125xi32, #tpu.memory_space<vmem>> -> memref<1x125xi32, #tpu.memory_space<vmem>>
      %dma_wait3A_143 = tpu.memref_squeeze %dma_wait3A_142 : memref<1x125xi32, #tpu.memory_space<vmem>> -> memref<125xi32, #tpu.memory_space<vmem>>
      %dma_wait3A_144 = arith.constant 0 : i32
      %dma_wait3A_145 = arith.constant 0 : i32
      %dma_wait3A_146 = tpu.memref_slice %arg10[%dma_wait3A_144, %dma_wait3A_145] : memref<40960x32xf32, #tpu.memory_space<vmem_shared>> -> memref<40960x32xf32, #tpu.memory_space<vmem_shared>>
      tpu.wait_indirect_dma semaphore(%arg14 : memref<!tpu.dma_semaphore, #tpu.memory_space<semaphore_mem>>) src(%dma_wait3A_140 : memref<125x32xf32, #tpu.memory_space<vmem>>) dst(%dma_wait3A_146 : memref<40960x32xf32, #tpu.memory_space<vmem_shared>>)
      %add3A_147 = arith.constant 2 : i32
      %add3A_148 = arith.addi %add3A_85, %add3A_147 : i32
      %lt3A_149 = arith.constant 160 : i32
      %lt3A_150 = arith.cmpi slt, %add3A_148, %lt3A_149 : i32
      %convert_element_type3A_151 = arith.extui %lt3A_150 : i1 to i32
      %cond3A_152 = arith.constant 0 : i32
      %cond3A_153 = arith.cmpi ne, %convert_element_type3A_151, %cond3A_152 : i32
      scf.if %cond3A_153 {
        %add3A_154 = arith.constant 2 : i32
        %add3A_155 = arith.addi %add3A_85, %add3A_154 : i32
        %dma_start3A_156 = arith.constant 0 : i32
        %dma_start3A_157 = arith.constant 0 : i32
        %dma_start3A_158 = tpu.memref_slice %arg9[%dma_start3A_156, %dma_start3A_157] : memref<128x32xf32, #tpu.memory_space<vmem>> -> memref<125x32xf32, #tpu.memory_space<vmem>>
        %dma_start3A_159 = arith.constant 0 : i32
        %dma_start3A_160 = tpu.memref_slice %arg6[%add3A_155, %dma_start3A_159] : memref<160x125xi32, #tpu.memory_space<vmem>> -> memref<1x125xi32, #tpu.memory_space<vmem>>
        %dma_start3A_161 = tpu.memref_squeeze %dma_start3A_160 : memref<1x125xi32, #tpu.memory_space<vmem>> -> memref<125xi32, #tpu.memory_space<vmem>>
        %dma_start3A_162 = arith.constant 0 : i32
        %dma_start3A_163 = arith.constant 0 : i32
        %dma_start3A_164 = tpu.memref_slice %arg2[%dma_start3A_162, %dma_start3A_163] : memref<40000x32xf32, #tpu.memory_space<hbm>> -> memref<40000x32xf32, #tpu.memory_space<hbm>>
        tpu.enqueue_indirect_dma source(%dma_start3A_164 : memref<40000x32xf32, #tpu.memory_space<hbm>>) target(%dma_start3A_158 : memref<125x32xf32, #tpu.memory_space<vmem>>) offsets(%dma_start3A_161 : memref<125xi32, #tpu.memory_space<vmem>>) semaphore(%arg12 : memref<!tpu.dma_semaphore, #tpu.memory_space<semaphore_mem>>)
      } else {
      }
    }
    %scan3A_73 = arith.constant 80 : i32
    %barrier3A_74 = arith.constant 0 : index
    tpu.barrier barrier_id(%barrier3A_74)
    %lt3A = arith.constant 15 : i32
    %lt3A_75 = arith.cmpi slt, %arg1, %lt3A : i32
    %convert_element_type3A = arith.extui %lt3A_75 : i1 to i32
    %cond3A = arith.constant 0 : i32
    %cond3A_76 = arith.cmpi ne, %convert_element_type3A, %cond3A : i32
    scf.if %cond3A_76 {
      %mul3A_81 = arith.constant 2496 : i32
      %mul3A_82 = arith.muli %arg1, %mul3A_81 : i32
      %mul3A_83 = arith.constant 2496 : i32
      %mul3A_84 = arith.muli %arg1, %mul3A_83 : i32
      "tpu.region"() ({
        %run_scoped3A = tpu.sem_alloc : memref<!tpu.dma_semaphore, #tpu.memory_space<semaphore_mem>>
        %dma_start3A_85 = arith.constant 0 : i32
        %dma_start3A_86 = tpu.memref_slice %arg5[%arg0, %mul3A_84, %dma_start3A_85] : memref<2x40000x32xf32, #tpu.memory_space<hbm>> -> memref<1x2496x32xf32, #tpu.memory_space<hbm>>
        %dma_start3A_87 = tpu.memref_squeeze %dma_start3A_86 : memref<1x2496x32xf32, #tpu.memory_space<hbm>> -> memref<2496x32xf32, #tpu.memory_space<hbm>>
        %dma_start3A_88 = arith.constant 0 : i32
        %dma_start3A_89 = tpu.memref_slice %arg10[%mul3A_82, %dma_start3A_88] : memref<40960x32xf32, #tpu.memory_space<vmem_shared>> -> memref<2496x32xf32, #tpu.memory_space<vmem_shared>>
        tpu.enqueue_dma source(%dma_start3A_89 : memref<2496x32xf32, #tpu.memory_space<vmem_shared>>) target(%dma_start3A_87 : memref<2496x32xf32, #tpu.memory_space<hbm>>) target_semaphore(%run_scoped3A : memref<!tpu.dma_semaphore, #tpu.memory_space<semaphore_mem>>)
        %dma_wait3A_90 = arith.constant 0 : i32
        %dma_wait3A_91 = tpu.memref_slice %arg5[%arg0, %mul3A_84, %dma_wait3A_90] : memref<2x40000x32xf32, #tpu.memory_space<hbm>> -> memref<1x2496x32xf32, #tpu.memory_space<hbm>>
        %dma_wait3A_92 = tpu.memref_squeeze %dma_wait3A_91 : memref<1x2496x32xf32, #tpu.memory_space<hbm>> -> memref<2496x32xf32, #tpu.memory_space<hbm>>
        %dma_wait3A_93 = arith.constant 0 : i32
        %dma_wait3A_94 = tpu.memref_slice %arg10[%mul3A_82, %dma_wait3A_93] : memref<40960x32xf32, #tpu.memory_space<vmem_shared>> -> memref<2496x32xf32, #tpu.memory_space<vmem_shared>>
        tpu.wait_dma2 semaphore(%run_scoped3A : memref<!tpu.dma_semaphore, #tpu.memory_space<semaphore_mem>>) src(%dma_wait3A_94 : memref<2496x32xf32, #tpu.memory_space<vmem_shared>>) dst(%dma_wait3A_92 : memref<2496x32xf32, #tpu.memory_space<hbm>>)
        tpu.yield
      }) : () -> ()
    } else {
    }
    %eq3A = arith.constant 15 : i32
    %eq3A_77 = arith.cmpi eq, %arg1, %eq3A : i32
    %convert_element_type3A_78 = arith.extui %eq3A_77 : i1 to i32
    %cond3A_79 = arith.constant 0 : i32
    %cond3A_80 = arith.cmpi ne, %convert_element_type3A_78, %cond3A_79 : i32
    scf.if %cond3A_80 {
      "tpu.region"() ({
        %run_scoped3A = tpu.sem_alloc : memref<!tpu.dma_semaphore, #tpu.memory_space<semaphore_mem>>
        %dma_start3A_81 = arith.constant 37440 : i32
        %dma_start3A_82 = arith.constant 0 : i32
        %dma_start3A_83 = tpu.memref_slice %arg5[%arg0, %dma_start3A_81, %dma_start3A_82] : memref<2x40000x32xf32, #tpu.memory_space<hbm>> -> memref<1x2560x32xf32, #tpu.memory_space<hbm>>
        %dma_start3A_84 = tpu.memref_squeeze %dma_start3A_83 : memref<1x2560x32xf32, #tpu.memory_space<hbm>> -> memref<2560x32xf32, #tpu.memory_space<hbm>>
        %dma_start3A_85 = arith.constant 37440 : i32
        %dma_start3A_86 = arith.constant 0 : i32
        %dma_start3A_87 = tpu.memref_slice %arg10[%dma_start3A_85, %dma_start3A_86] : memref<40960x32xf32, #tpu.memory_space<vmem_shared>> -> memref<2560x32xf32, #tpu.memory_space<vmem_shared>>
        tpu.enqueue_dma source(%dma_start3A_87 : memref<2560x32xf32, #tpu.memory_space<vmem_shared>>) target(%dma_start3A_84 : memref<2560x32xf32, #tpu.memory_space<hbm>>) target_semaphore(%run_scoped3A : memref<!tpu.dma_semaphore, #tpu.memory_space<semaphore_mem>>)
        %dma_wait3A_88 = arith.constant 37440 : i32
        %dma_wait3A_89 = arith.constant 0 : i32
        %dma_wait3A_90 = tpu.memref_slice %arg5[%arg0, %dma_wait3A_88, %dma_wait3A_89] : memref<2x40000x32xf32, #tpu.memory_space<hbm>> -> memref<1x2560x32xf32, #tpu.memory_space<hbm>>
        %dma_wait3A_91 = tpu.memref_squeeze %dma_wait3A_90 : memref<1x2560x32xf32, #tpu.memory_space<hbm>> -> memref<2560x32xf32, #tpu.memory_space<hbm>>
        %dma_wait3A_92 = arith.constant 37440 : i32
        %dma_wait3A_93 = arith.constant 0 : i32
        %dma_wait3A_94 = tpu.memref_slice %arg10[%dma_wait3A_92, %dma_wait3A_93] : memref<40960x32xf32, #tpu.memory_space<vmem_shared>> -> memref<2560x32xf32, #tpu.memory_space<vmem_shared>>
        tpu.wait_dma2 semaphore(%run_scoped3A : memref<!tpu.dma_semaphore, #tpu.memory_space<semaphore_mem>>) src(%dma_wait3A_94 : memref<2560x32xf32, #tpu.memory_space<vmem_shared>>) dst(%dma_wait3A_91 : memref<2560x32xf32, #tpu.memory_space<hbm>>)
        tpu.yield
      }) : () -> ()
    } else {
    }
    return
  }
}

module attributes {stable_mosaic.version = 14 : i64} {
  func.func @_mm1_body(%arg0: i32, %arg1: memref<4000x128xf32, #tpu.memory_space<vmem>>, %arg2: memref<128x32xf32, #tpu.memory_space<vmem>>, %arg3: memref<128x32xf32, #tpu.memory_space<vmem>>, %arg4: memref<1x32xf32, #tpu.memory_space<vmem>>, %arg5: memref<4000x32xf32, #tpu.memory_space<vmem>>, %arg6: memref<4000x32xf32, #tpu.memory_space<vmem>>) attributes {dimension_semantics = [#tpu.dimension_semantics<arbitrary>], iteration_bounds = array<i64: 10>, scalar_prefetch = 0 : i64, scratch_operands = 0 : i64, tpu.core_type = #tpu.core_type<tc>, window_params = [{transform_indices = @transform_0, window_bounds = array<i64: 4000, 128>}, {pipeline_mode = #tpu.pipeline_mode<synchronous>, transform_indices = @transform_1, window_bounds = array<i64: 128, 32>}, {pipeline_mode = #tpu.pipeline_mode<synchronous>, transform_indices = @transform_2, window_bounds = array<i64: 128, 32>}, {pipeline_mode = #tpu.pipeline_mode<synchronous>, transform_indices = @transform_3, window_bounds = array<i64: 1, 32>}, {transform_indices = @transform_4, window_bounds = array<i64: 4000, 32>}, {transform_indices = @transform_5, window_bounds = array<i64: 4000, 32>}]} {
    %get3A = arith.constant 0 : index
    %get3A_0 = arith.constant 0 : index
    %get3A_1 = vector.load %arg1[%get3A, %get3A_0] : memref<4000x128xf32, #tpu.memory_space<vmem>>, vector<4000x128xf32>
    %get3A_2 = arith.constant 0 : index
    %get3A_3 = arith.constant 0 : index
    %get3A_4 = vector.load %arg2[%get3A_2, %get3A_3] : memref<128x32xf32, #tpu.memory_space<vmem>>, vector<128x32xf32>
    %dot_general3A = arith.constant dense<0.000000e+00> : vector<4000x32xf32>
    %dot_general3A_5 = tpu.matmul %get3A_1, %get3A_4, %dot_general3A {dimension_numbers = #tpu.dot_dimension_numbers<[1], [0], [0], [1], [0, 0, 1, 1], [], []>, transpose_lhs_hint = false} : vector<4000x128xf32>, vector<128x32xf32>, vector<4000x32xf32> -> vector<4000x32xf32>
    %swap3A = arith.constant 0 : index
    %swap3A_6 = arith.constant 0 : index
    %swap3A_7 = vector.load %arg5[%swap3A, %swap3A_6] : memref<4000x32xf32, #tpu.memory_space<vmem>>, vector<4000x32xf32>
    tpu.vector_store %arg5[%swap3A, %swap3A_6], %dot_general3A_5 {strides = array<i32>} : memref<4000x32xf32, #tpu.memory_space<vmem>>, vector<4000x32xf32>,
    %get3A_8 = arith.constant 0 : index
    %get3A_9 = arith.constant 0 : index
    %get3A_10 = vector.load %arg3[%get3A_8, %get3A_9] : memref<128x32xf32, #tpu.memory_space<vmem>>, vector<128x32xf32>
    %dot_general3A_11 = arith.constant dense<0.000000e+00> : vector<4000x32xf32>
    %dot_general3A_12 = tpu.matmul %get3A_1, %get3A_10, %dot_general3A_11 {dimension_numbers = #tpu.dot_dimension_numbers<[1], [0], [0], [1], [0, 0, 1, 1], [], []>, transpose_lhs_hint = false} : vector<4000x128xf32>, vector<128x32xf32>, vector<4000x32xf32> -> vector<4000x32xf32>
    %get3A_13 = arith.constant 0 : index
    %get3A_14 = arith.constant 0 : index
    %get3A_15 = vector.load %arg4[%get3A_13, %get3A_14] : memref<1x32xf32, #tpu.memory_space<vmem>>, vector<1x32xf32>
    %add3A = vector.broadcast %get3A_15 : vector<1x32xf32> to vector<4000x32xf32>
    %add3A_16 = arith.addf %dot_general3A_12, %add3A : vector<4000x32xf32>
    %swap3A_17 = arith.constant 0 : index
    %swap3A_18 = arith.constant 0 : index
    %swap3A_19 = vector.load %arg6[%swap3A_17, %swap3A_18] : memref<4000x32xf32, #tpu.memory_space<vmem>>, vector<4000x32xf32>
    tpu.vector_store %arg6[%swap3A_17, %swap3A_18], %add3A_16 {strides = array<i32>} : memref<4000x32xf32, #tpu.memory_space<vmem>>, vector<4000x32xf32>,
    return
  }
  func.func @transform_0(%arg0: i32) -> (i32, i32) {
    %c0_i32 = arith.constant 0 : i32
    %c0_i32_0 = arith.constant 0 : i32
    return %arg0, %c0_i32 : i32, i32
  }
  func.func @transform_1(%arg0: i32) -> (i32, i32) {
    %c0_i32 = arith.constant 0 : i32
    %c0_i32_0 = arith.constant 0 : i32
    %c0_i32_1 = arith.constant 0 : i32
    return %c0_i32, %c0_i32_0 : i32, i32
  }
  func.func @transform_2(%arg0: i32) -> (i32, i32) {
    %c0_i32 = arith.constant 0 : i32
    %c0_i32_0 = arith.constant 0 : i32
    %c0_i32_1 = arith.constant 0 : i32
    return %c0_i32, %c0_i32_0 : i32, i32
  }
  func.func @transform_3(%arg0: i32) -> (i32, i32) {
    %c0_i32 = arith.constant 0 : i32
    %c0_i32_0 = arith.constant 0 : i32
    %c0_i32_1 = arith.constant 0 : i32
    return %c0_i32, %c0_i32_0 : i32, i32
  }
  func.func @transform_4(%arg0: i32) -> (i32, i32) {
    %c0_i32 = arith.constant 0 : i32
    %c0_i32_0 = arith.constant 0 : i32
    return %arg0, %c0_i32 : i32, i32
  }
  func.func @transform_5(%arg0: i32) -> (i32, i32) {
    %c0_i32 = arith.constant 0 : i32
    %c0_i32_0 = arith.constant 0 : i32
    return %arg0, %c0_i32 : i32, i32
  }
}

module attributes {stable_mosaic.version = 14 : i64} {
  func.func @_mid_body(%arg0: i32, %arg1: memref<2x4000x32xf32, #tpu.memory_space<vmem>>, %arg2: memref<4000x32xf32, #tpu.memory_space<vmem>>, %arg3: memref<32x32xf32, #tpu.memory_space<vmem>>, %arg4: memref<32x32xf32, #tpu.memory_space<vmem>>, %arg5: memref<1x32xf32, #tpu.memory_space<vmem>>, %arg6: memref<4000x32xf32, #tpu.memory_space<vmem>>, %arg7: memref<4000x32xf32, #tpu.memory_space<vmem>>) attributes {dimension_semantics = [#tpu.dimension_semantics<arbitrary>], iteration_bounds = array<i64: 10>, scalar_prefetch = 0 : i64, scratch_operands = 0 : i64, tpu.core_type = #tpu.core_type<tc>, window_params = [{transform_indices = @transform_0, window_bounds = array<i64: 2, 4000, 32>}, {transform_indices = @transform_1, window_bounds = array<i64: 4000, 32>}, {pipeline_mode = #tpu.pipeline_mode<synchronous>, transform_indices = @transform_2, window_bounds = array<i64: 32, 32>}, {pipeline_mode = #tpu.pipeline_mode<synchronous>, transform_indices = @transform_3, window_bounds = array<i64: 32, 32>}, {pipeline_mode = #tpu.pipeline_mode<synchronous>, transform_indices = @transform_4, window_bounds = array<i64: 1, 32>}, {transform_indices = @transform_5, window_bounds = array<i64: 4000, 32>}, {transform_indices = @transform_6, window_bounds = array<i64: 4000, 32>}]} {
    %get3A = arith.constant 0 : index
    %get3A_0 = arith.constant 0 : index
    %get3A_1 = arith.constant 0 : index
    %get3A_2 = vector.load %arg1[%get3A, %get3A_0, %get3A_1] : memref<2x4000x32xf32, #tpu.memory_space<vmem>>, vector<1x4000x32xf32>
    %get3A_3 = vector.shape_cast %get3A_2 : vector<1x4000x32xf32> to vector<4000x32xf32>
    %get3A_4 = arith.constant 1 : index
    %get3A_5 = arith.constant 0 : index
    %get3A_6 = arith.constant 0 : index
    %get3A_7 = vector.load %arg1[%get3A_4, %get3A_5, %get3A_6] : memref<2x4000x32xf32, #tpu.memory_space<vmem>>, vector<1x4000x32xf32>
    %get3A_8 = vector.shape_cast %get3A_7 : vector<1x4000x32xf32> to vector<4000x32xf32>
    %add3A = arith.addf %get3A_3, %get3A_8 : vector<4000x32xf32>
    %get3A_9 = arith.constant 0 : index
    %get3A_10 = arith.constant 0 : index
    %get3A_11 = vector.load %arg2[%get3A_9, %get3A_10] : memref<4000x32xf32, #tpu.memory_space<vmem>>, vector<4000x32xf32>
    %add3A_12 = arith.addf %add3A, %get3A_11 : vector<4000x32xf32>
    %max3A = arith.constant 0.000000e+00 : f32
    %max3A_13 = vector.broadcast %max3A : f32 to vector<4000x32xf32>
    %max3A_14 = arith.maximumf %add3A_12, %max3A_13 : vector<4000x32xf32>
    %get3A_15 = arith.constant 0 : index
    %get3A_16 = arith.constant 0 : index
    %get3A_17 = vector.load %arg3[%get3A_15, %get3A_16] : memref<32x32xf32, #tpu.memory_space<vmem>>, vector<32x32xf32>
    %dot_general3A = arith.constant dense<0.000000e+00> : vector<4000x32xf32>
    %dot_general3A_18 = tpu.matmul %max3A_14, %get3A_17, %dot_general3A {dimension_numbers = #tpu.dot_dimension_numbers<[1], [0], [0], [1], [0, 0, 1, 1], [], []>, transpose_lhs_hint = false} : vector<4000x32xf32>, vector<32x32xf32>, vector<4000x32xf32> -> vector<4000x32xf32>
    %swap3A = arith.constant 0 : index
    %swap3A_19 = arith.constant 0 : index
    %swap3A_20 = vector.load %arg6[%swap3A, %swap3A_19] : memref<4000x32xf32, #tpu.memory_space<vmem>>, vector<4000x32xf32>
    tpu.vector_store %arg6[%swap3A, %swap3A_19], %dot_general3A_18 {strides = array<i32>} : memref<4000x32xf32, #tpu.memory_space<vmem>>, vector<4000x32xf32>,
    %get3A_21 = arith.constant 0 : index
    %get3A_22 = arith.constant 0 : index
    %get3A_23 = vector.load %arg4[%get3A_21, %get3A_22] : memref<32x32xf32, #tpu.memory_space<vmem>>, vector<32x32xf32>
    %dot_general3A_24 = arith.constant dense<0.000000e+00> : vector<4000x32xf32>
    %dot_general3A_25 = tpu.matmul %max3A_14, %get3A_23, %dot_general3A_24 {dimension_numbers = #tpu.dot_dimension_numbers<[1], [0], [0], [1], [0, 0, 1, 1], [], []>, transpose_lhs_hint = false} : vector<4000x32xf32>, vector<32x32xf32>, vector<4000x32xf32> -> vector<4000x32xf32>
    %get3A_26 = arith.constant 0 : index
    %get3A_27 = arith.constant 0 : index
    %get3A_28 = vector.load %arg5[%get3A_26, %get3A_27] : memref<1x32xf32, #tpu.memory_space<vmem>>, vector<1x32xf32>
    %add3A_29 = vector.broadcast %get3A_28 : vector<1x32xf32> to vector<4000x32xf32>
    %add3A_30 = arith.addf %dot_general3A_25, %add3A_29 : vector<4000x32xf32>
    %swap3A_31 = arith.constant 0 : index
    %swap3A_32 = arith.constant 0 : index
    %swap3A_33 = vector.load %arg7[%swap3A_31, %swap3A_32] : memref<4000x32xf32, #tpu.memory_space<vmem>>, vector<4000x32xf32>
    tpu.vector_store %arg7[%swap3A_31, %swap3A_32], %add3A_30 {strides = array<i32>} : memref<4000x32xf32, #tpu.memory_space<vmem>>, vector<4000x32xf32>,
    return
  }
  func.func @transform_0(%arg0: i32) -> (i32, i32, i32) {
    %c0_i32 = arith.constant 0 : i32
    %c0_i32_0 = arith.constant 0 : i32
    %c0_i32_1 = arith.constant 0 : i32
    return %c0_i32, %arg0, %c0_i32_0 : i32, i32, i32
  }
  func.func @transform_1(%arg0: i32) -> (i32, i32) {
    %c0_i32 = arith.constant 0 : i32
    %c0_i32_0 = arith.constant 0 : i32
    return %arg0, %c0_i32 : i32, i32
  }
  func.func @transform_2(%arg0: i32) -> (i32, i32) {
    %c0_i32 = arith.constant 0 : i32
    %c0_i32_0 = arith.constant 0 : i32
    %c0_i32_1 = arith.constant 0 : i32
    return %c0_i32, %c0_i32_0 : i32, i32
  }
  func.func @transform_3(%arg0: i32) -> (i32, i32) {
    %c0_i32 = arith.constant 0 : i32
    %c0_i32_0 = arith.constant 0 : i32
    %c0_i32_1 = arith.constant 0 : i32
    return %c0_i32, %c0_i32_0 : i32, i32
  }
  func.func @transform_4(%arg0: i32) -> (i32, i32) {
    %c0_i32 = arith.constant 0 : i32
    %c0_i32_0 = arith.constant 0 : i32
    %c0_i32_1 = arith.constant 0 : i32
    return %c0_i32, %c0_i32_0 : i32, i32
  }
  func.func @transform_5(%arg0: i32) -> (i32, i32) {
    %c0_i32 = arith.constant 0 : i32
    %c0_i32_0 = arith.constant 0 : i32
    return %arg0, %c0_i32 : i32, i32
  }
  func.func @transform_6(%arg0: i32) -> (i32, i32) {
    %c0_i32 = arith.constant 0 : i32
    %c0_i32_0 = arith.constant 0 : i32
    return %arg0, %c0_i32 : i32, i32
  }
}

module attributes {stable_mosaic.version = 14 : i64} {
  func.func @_fin_body(%arg0: i32, %arg1: memref<2x4x12800xf32, #tpu.memory_space<vmem>>, %arg2: memref<4x12800xf32, #tpu.memory_space<vmem>>, %arg3: memref<32x12800xf32, #tpu.memory_space<vmem>>, %arg4: memref<32x12800xf32, #tpu.memory_space<vmem>>, %arg5: memref<1x32xf32, #tpu.memory_space<vmem>>, %arg6: memref<1x32xf32, #tpu.memory_space<vmem>>, %arg7: memref<4x32xf32, #tpu.memory_space<vmem>>, %arg8: memref<4x32xf32, #tpu.memory_space<vmem>>) attributes {dimension_semantics = [#tpu.dimension_semantics<arbitrary>], iteration_bounds = array<i64: 25>, scalar_prefetch = 0 : i64, scratch_operands = 0 : i64, tpu.core_type = #tpu.core_type<tc>, window_params = [{transform_indices = @transform_0, window_bounds = array<i64: 2, 4, 12800>}, {transform_indices = @transform_1, window_bounds = array<i64: 4, 12800>}, {transform_indices = @transform_2, window_bounds = array<i64: 32, 12800>}, {transform_indices = @transform_3, window_bounds = array<i64: 32, 12800>}, {pipeline_mode = #tpu.pipeline_mode<synchronous>, transform_indices = @transform_4, window_bounds = array<i64: 1, 32>}, {pipeline_mode = #tpu.pipeline_mode<synchronous>, transform_indices = @transform_5, window_bounds = array<i64: 1, 32>}, {pipeline_mode = #tpu.pipeline_mode<synchronous>, transform_indices = @transform_6, window_bounds = array<i64: 4, 32>}, {pipeline_mode = #tpu.pipeline_mode<synchronous>, transform_indices = @transform_7, window_bounds = array<i64: 4, 32>}]} {
    %get3A = arith.constant 0 : index
    %get3A_0 = arith.constant 0 : index
    %get3A_1 = arith.constant 0 : index
    %get3A_2 = vector.load %arg1[%get3A, %get3A_0, %get3A_1] : memref<2x4x12800xf32, #tpu.memory_space<vmem>>, vector<1x4x12800xf32>
    %get3A_3 = vector.shape_cast %get3A_2 : vector<1x4x12800xf32> to vector<4x12800xf32>
    %get3A_4 = arith.constant 1 : index
    %get3A_5 = arith.constant 0 : index
    %get3A_6 = arith.constant 0 : index
    %get3A_7 = vector.load %arg1[%get3A_4, %get3A_5, %get3A_6] : memref<2x4x12800xf32, #tpu.memory_space<vmem>>, vector<1x4x12800xf32>
    %get3A_8 = vector.shape_cast %get3A_7 : vector<1x4x12800xf32> to vector<4x12800xf32>
    %add3A = arith.addf %get3A_3, %get3A_8 : vector<4x12800xf32>
    %get3A_9 = arith.constant 0 : index
    %get3A_10 = arith.constant 0 : index
    %get3A_11 = vector.load %arg2[%get3A_9, %get3A_10] : memref<4x12800xf32, #tpu.memory_space<vmem>>, vector<4x12800xf32>
    %add3A_12 = arith.addf %add3A, %get3A_11 : vector<4x12800xf32>
    %max3A = arith.constant 0.000000e+00 : f32
    %max3A_13 = vector.broadcast %max3A : f32 to vector<4x12800xf32>
    %max3A_14 = arith.maximumf %add3A_12, %max3A_13 : vector<4x12800xf32>
    %get3A_15 = arith.constant 0 : index
    %get3A_16 = arith.constant 0 : index
    %get3A_17 = vector.load %arg3[%get3A_15, %get3A_16] : memref<32x12800xf32, #tpu.memory_space<vmem>>, vector<32x12800xf32>
    %dot_general3A = arith.constant dense<0.000000e+00> : vector<4x32xf32>
    %dot_general3A_18 = tpu.matmul %max3A_14, %get3A_17, %dot_general3A {dimension_numbers = #tpu.dot_dimension_numbers<[1], [1], [0], [0], [0, 0, 1, 0], [], []>, precision = #tpu.contract_precision<fp32>, transpose_lhs_hint = false} : vector<4x12800xf32>, vector<32x12800xf32>, vector<4x32xf32> -> vector<4x32xf32>
    %get3A_19 = arith.constant 0 : index
    %get3A_20 = arith.constant 0 : index
    %get3A_21 = vector.load %arg4[%get3A_19, %get3A_20] : memref<32x12800xf32, #tpu.memory_space<vmem>>, vector<32x12800xf32>
    %dot_general3A_22 = arith.constant dense<0.000000e+00> : vector<4x32xf32>
    %dot_general3A_23 = tpu.matmul %max3A_14, %get3A_21, %dot_general3A_22 {dimension_numbers = #tpu.dot_dimension_numbers<[1], [1], [0], [0], [0, 0, 1, 0], [], []>, precision = #tpu.contract_precision<fp32>, transpose_lhs_hint = false} : vector<4x12800xf32>, vector<32x12800xf32>, vector<4x32xf32> -> vector<4x32xf32>
    %eq3A = arith.constant 0 : i32
    %eq3A_24 = arith.cmpi eq, %arg0, %eq3A : i32
    %convert_element_type3A = arith.extui %eq3A_24 : i1 to i32
    %cond3A = arith.constant 0 : i32
    %cond3A_25 = arith.cmpi ne, %convert_element_type3A, %cond3A : i32
    scf.if %cond3A_25 {
      %get3A_39 = arith.constant 0 : index
      %get3A_40 = arith.constant 0 : index
      %get3A_41 = vector.load %arg5[%get3A_39, %get3A_40] : memref<1x32xf32, #tpu.memory_space<vmem>>, vector<1x32xf32>
      %broadcast_in_dim3A = vector.shape_cast %get3A_41 : vector<1x32xf32> to vector<1x32xf32>
      %broadcast_in_dim3A_42 = vector.broadcast %broadcast_in_dim3A : vector<1x32xf32> to vector<4x32xf32>
      %swap3A_43 = arith.constant 0 : index
      %swap3A_44 = arith.constant 0 : index
      %swap3A_45 = vector.load %arg7[%swap3A_43, %swap3A_44] : memref<4x32xf32, #tpu.memory_space<vmem>>, vector<4x32xf32>
      tpu.vector_store %arg7[%swap3A_43, %swap3A_44], %broadcast_in_dim3A_42 {strides = array<i32>} : memref<4x32xf32, #tpu.memory_space<vmem>>, vector<4x32xf32>,
      %get3A_46 = arith.constant 0 : index
      %get3A_47 = arith.constant 0 : index
      %get3A_48 = vector.load %arg6[%get3A_46, %get3A_47] : memref<1x32xf32, #tpu.memory_space<vmem>>, vector<1x32xf32>
      %broadcast_in_dim3A_49 = vector.shape_cast %get3A_48 : vector<1x32xf32> to vector<1x32xf32>
      %broadcast_in_dim3A_50 = vector.broadcast %broadcast_in_dim3A_49 : vector<1x32xf32> to vector<4x32xf32>
      %swap3A_51 = arith.constant 0 : index
      %swap3A_52 = arith.constant 0 : index
      %swap3A_53 = vector.load %arg8[%swap3A_51, %swap3A_52] : memref<4x32xf32, #tpu.memory_space<vmem>>, vector<4x32xf32>
      tpu.vector_store %arg8[%swap3A_51, %swap3A_52], %broadcast_in_dim3A_50 {strides = array<i32>} : memref<4x32xf32, #tpu.memory_space<vmem>>, vector<4x32xf32>,
    } else {
    }
    %get3A_26 = arith.constant 0 : index
    %get3A_27 = arith.constant 0 : index
    %get3A_28 = vector.load %arg7[%get3A_26, %get3A_27] : memref<4x32xf32, #tpu.memory_space<vmem>>, vector<4x32xf32>
    %add3A_29 = arith.addf %get3A_28, %dot_general3A_18 : vector<4x32xf32>
    %swap3A = arith.constant 0 : index
    %swap3A_30 = arith.constant 0 : index
    %swap3A_31 = vector.load %arg7[%swap3A, %swap3A_30] : memref<4x32xf32, #tpu.memory_space<vmem>>, vector<4x32xf32>
    tpu.vector_store %arg7[%swap3A, %swap3A_30], %add3A_29 {strides = array<i32>} : memref<4x32xf32, #tpu.memory_space<vmem>>, vector<4x32xf32>,
    %get3A_32 = arith.constant 0 : index
    %get3A_33 = arith.constant 0 : index
    %get3A_34 = vector.load %arg8[%get3A_32, %get3A_33] : memref<4x32xf32, #tpu.memory_space<vmem>>, vector<4x32xf32>
    %add3A_35 = arith.addf %get3A_34, %dot_general3A_23 : vector<4x32xf32>
    %swap3A_36 = arith.constant 0 : index
    %swap3A_37 = arith.constant 0 : index
    %swap3A_38 = vector.load %arg8[%swap3A_36, %swap3A_37] : memref<4x32xf32, #tpu.memory_space<vmem>>, vector<4x32xf32>
    tpu.vector_store %arg8[%swap3A_36, %swap3A_37], %add3A_35 {strides = array<i32>} : memref<4x32xf32, #tpu.memory_space<vmem>>, vector<4x32xf32>,
    return
  }
  func.func @transform_0(%arg0: i32) -> (i32, i32, i32) {
    %c0_i32 = arith.constant 0 : i32
    %c0_i32_0 = arith.constant 0 : i32
    %c0_i32_1 = arith.constant 0 : i32
    return %c0_i32, %c0_i32_0, %arg0 : i32, i32, i32
  }
  func.func @transform_1(%arg0: i32) -> (i32, i32) {
    %c0_i32 = arith.constant 0 : i32
    %c0_i32_0 = arith.constant 0 : i32
    return %c0_i32, %arg0 : i32, i32
  }
  func.func @transform_2(%arg0: i32) -> (i32, i32) {
    %c0_i32 = arith.constant 0 : i32
    %c0_i32_0 = arith.constant 0 : i32
    return %c0_i32, %arg0 : i32, i32
  }
  func.func @transform_3(%arg0: i32) -> (i32, i32) {
    %c0_i32 = arith.constant 0 : i32
    %c0_i32_0 = arith.constant 0 : i32
    return %c0_i32, %arg0 : i32, i32
  }
  func.func @transform_4(%arg0: i32) -> (i32, i32) {
    %c0_i32 = arith.constant 0 : i32
    %c0_i32_0 = arith.constant 0 : i32
    %c0_i32_1 = arith.constant 0 : i32
    return %c0_i32, %c0_i32_0 : i32, i32
  }
  func.func @transform_5(%arg0: i32) -> (i32, i32) {
    %c0_i32 = arith.constant 0 : i32
    %c0_i32_0 = arith.constant 0 : i32
    %c0_i32_1 = arith.constant 0 : i32
    return %c0_i32, %c0_i32_0 : i32, i32
  }
  func.func @transform_6(%arg0: i32) -> (i32, i32) {
    %c0_i32 = arith.constant 0 : i32
    %c0_i32_0 = arith.constant 0 : i32
    %c0_i32_1 = arith.constant 0 : i32
    return %c0_i32, %c0_i32_0 : i32, i32
  }
  func.func @transform_7(%arg0: i32) -> (i32, i32) {
    %c0_i32 = arith.constant 0 : i32
    %c0_i32_0 = arith.constant 0 : i32
    %c0_i32_1 = arith.constant 0 : i32
    return %c0_i32, %c0_i32_0 : i32, i32
  }
}

</mosaic_0001>

<sc_bundles>
// kernel: kernel.10.cloned.1.call-start
scs
__scs_entry_jumppad:
0x0: {  	(pc) =	sbr.rel $0x88, $3  }
0x1: {  	(tag) =	ssettag $0x0;
	lr =	simm.s32 $0x1  }
0x2: {  	[smem:$0x3F95] =	sst lr;
	_ =	strace $0xD0000000  }
0x3: {  	_ = 	snop  }
0x4: {  	_ = 	snop  }
0x5: {  	_ = 	snop  }
0x6: {  	_ = 	snop  }
0x7: {  	_ = 	snop  }
__scs_overlays_trampoline_lowered:
0x8: {  	[smem:$0x3FA4] =	sst s0  }
0x9: {  	[smem:$0x3FA5] =	sst s1  }
0xa: {  	[smem:$0x3FA6] =	sst s2  }
0xb: {  	[smem:$0x3FA7] =	sst s3  }
0xc: {  	[smem:$0x3FA8] =	sst s4  }
0xd: {  	[smem:$0x3FA9] =	sst s5  }
0xe: {  	[smem:$0x3FAA] =	sst s6  }
0xf: {  	[smem:$0x3FAB] =	sst s7  }
0x10: {  	[smem:$0x3FAC] =	sst s8  }
0x11: {  	[smem:$0x3FAD] =	sst s9;
	s0 =	simm.s32 @!p0 $0x0  }
0x12: {  	s1 =	sld [smem:$0x3F93];
	s0 =	simm.s32 @p0 $0x1  }
0x13: {  	[smem:$0x3FAE] =	sst s0;
	s0 =	simm.s32 @!p1 $0x0  }
0x14: {  	s2 =	sld [smem:$0x3F92];
	s0 =	simm.s32 @p1 $0x1  }
0x15: {  	[smem:$0x3FAF] =	sst s0;
	s0 =	simm.s32 @!p2 $0x0  }
0x16: {  	s3 =	sld [smem:$0x3FDB];
	s0 =	simm.s32 @p2 $0x1  }
0x17: {  	s4 =	simm.s32 $0x1BF5;
	[smem:$0x3FB1] =	sst s0  }
0x18: {  	s0 =	sld [smem:$0x3F94];
	_ =	swait.ge [sflag:s4], $0x0  }
0x19: {  	s7 =	sld [smem:$0x3F95]  }
0x1a: {  	s8 =	sadd.s32 $0xFFFFE003, lr  }
0x1b: {  	s9 =	sadd.s32 $0xFFFFFEF7, lr;
	s5 =	simm.s32 $0xFFFFFFFF;
	p2 =	slt.u32 s8, $0xFFFFF086  }
0x1c: {  	p1 =	slt.u32 s9, $0xF7A;
	s5 =	simm.s32 @!p2 $0x0  }
0x1d: {  	s5 =	simm.s32 @p1 $0x1;
	p0 =	seq.s32 s7, s2  }
0x1e: {  	s7 =	smul.u32 @!p0 $0xF7A, s2;
	p2 =	seq.s32 @!p0 s5, $0x0  }
0x1f: {  	s9 =	smul.u32 $0xF7A, s1;
	s8 =	simm.s32 @!p0 $0x1BF5;
	p2 =	por !p2, p0  }
0x20: {  	[sflag:s8] =	ssyncset.s32 @!p0 $0xFFFFF086;
	s6 =	sadd.s32 @!p0 s3, s7;
	s7 =	simm.s32 @!p0 $0x108  }
0x21: {  	s3 =	sadd.s32 s3, s9;
	s6 =	sadd.s32 @!p0 $0x88, s6;
	s7 =	simm.s32 @p2 $0x1082  }
0x22: {  	[simem:s7], [sflag:s8] =	dma.local @!p0 [hbm:s6], $0xF7A  }
0x23: {  	s9 =	sor.u32 $0xD0000000, s2;
	s6 =	simm.s32 $0x108;
	_ =	swait.ge @!p0 [sflag:s8], $0x0  }
0x24: {  	s3 =	sadd.s32 $0x88, s3;
	s6 =	simm.s32 @!p1 $0x1082;
	[sflag:s4] =	ssyncset.s32 $0xFFFFF086  }
0x25: {  	[simem:s6], [sflag:s4] =	dma.local [hbm:s3], $0xF7A  }
0x26: {  	[smem:$0x3F95] =	sst s1;
	(tag) =	ssettag s2;
	_ =	strace s9  }
0x27: {  	s1 =	sld [smem:$0x3FA5]  }
0x28: {  	s2 =	sld [smem:$0x3FA6]  }
0x29: {  	s4 =	sld [smem:$0x3FA8]  }
0x2a: {  	p0 =	seq.s32 s5, $0x0;
	s5 =	sld [smem:$0x3FA9]  }
0x2b: {  	s6 =	sld [smem:$0x3FAA]  }
0x2c: {  	s7 =	sld [smem:$0x3FAB]  }
0x2d: {  	s3 =	simm.s32 $0x108;
	s8 =	sld [smem:$0x3FAC]  }
0x2e: {  	s3 =	simm.s32 @!p0 $0x1082;
	s9 =	sld [smem:$0x3FAD]  }
0x2f: {  	lr =	sadd.s32 s0, s3;
	s0 =	sld [smem:$0x3FA4]  }
0x30: {  	s3 =	sld [smem:$0x3FA7]  }
0x31: {  	[smem:$0x3FB0] =	sst s10  }
0x32: {  	s10 =	sld [smem:$0x3FAE];
	_ =	sdelay $0x3  }
0x33: {  	p0 =	seq.s32 s10, $0x1;
	s10 =	sld [smem:$0x3FB0];
	_ =	sdelay $0x3  }
0x34: {  	[smem:$0x3FB0] =	sst s10  }
0x35: {  	s10 =	sld [smem:$0x3FAF];
	_ =	sdelay $0x3  }
0x36: {  	p1 =	seq.s32 s10, $0x1;
	s10 =	sld [smem:$0x3FB0];
	_ =	sdelay $0x3  }
0x37: {  	[smem:$0x3FB0] =	sst s10  }
0x38: {  	s10 =	sld [smem:$0x3FB1]  }
0x39: {  	_ = 	snop;
	(pc) =	sbr.ind lr, $3  }
0x3a: {  	_ = 	snop  }
0x3b: {  	_ = 	snop  }
0x3c: {  	p2 =	seq.s32 s10, $0x1;
	s10 =	sld [smem:$0x3FB0]  }
0x3d: {  	_ =	shalt  }
0x3e: {  	_ =	shalt  }
0x3f: {  	_ =	shalt  }
0x40: {  	_ =	shalt  }
0x41: {  	_ =	shalt  }
0x42: {  	_ =	shalt  }
0x43: {  	_ =	shalt  }
0x44: {  	_ =	shalt  }
0x45: {  	_ =	shalt  }
0x46: {  	_ =	shalt  }
0x47: {  	_ =	shalt  }
0x48: {  	_ =	shalt  }
0x49: {  	_ =	shalt  }
0x4a: {  	_ =	shalt  }
0x4b: {  	_ =	shalt  }
0x4c: {  	_ =	shalt  }
0x4d: {  	_ =	shalt  }
0x4e: {  	_ =	shalt  }
0x4f: {  	_ =	shalt  }
0x50: {  	_ =	shalt  }
0x51: {  	_ =	shalt  }
0x52: {  	_ =	shalt  }
0x53: {  	_ =	shalt  }
0x54: {  	_ =	shalt  }
0x55: {  	_ =	shalt  }
0x56: {  	_ =	shalt  }
0x57: {  	_ =	shalt  }
0x58: {  	_ =	shalt  }
0x59: {  	_ =	shalt  }
0x5a: {  	_ =	shalt  }
0x5b: {  	_ =	shalt  }
0x5c: {  	_ =	shalt  }
0x5d: {  	_ =	shalt  }
0x5e: {  	_ =	shalt  }
0x5f: {  	_ =	shalt  }
0x60: {  	_ =	shalt  }
0x61: {  	_ =	shalt  }
0x62: {  	_ =	shalt  }
0x63: {  	_ =	shalt  }
0x64: {  	_ =	shalt  }
0x65: {  	_ =	shalt  }
0x66: {  	_ =	shalt  }
0x67: {  	_ =	shalt  }
0x68: {  	_ =	shalt  }
0x69: {  	_ =	shalt  }
0x6a: {  	_ =	shalt  }
0x6b: {  	_ =	shalt  }
0x6c: {  	_ =	shalt  }
0x6d: {  	_ =	shalt  }
0x6e: {  	_ =	shalt  }
0x6f: {  	_ =	shalt  }
0x70: {  	_ =	shalt  }
0x71: {  	_ =	shalt  }
0x72: {  	_ =	shalt  }
0x73: {  	_ =	shalt  }
0x74: {  	_ =	shalt  }
0x75: {  	_ =	shalt  }
0x76: {  	_ =	shalt  }
0x77: {  	_ =	shalt  }
0x78: {  	_ =	shalt  }
0x79: {  	_ =	shalt  }
0x7a: {  	_ =	shalt  }
0x7b: {  	_ =	shalt  }
0x7c: {  	_ =	shalt  }
0x7d: {  	_ =	shalt  }
0x7e: {  	_ =	shalt  }
0x7f: {  	_ =	shalt  }
0x80: {  	_ =	shalt  }
0x81: {  	_ =	shalt  }
0x82: {  	_ =	shalt  }
0x83: {  	_ =	shalt  }
0x84: {  	_ =	shalt  }
0x85: {  	_ =	shalt  }
0x86: {  	_ =	shalt  }
0x87: {  	_ =	shalt  }
.Lfunc_end0:
.L_simem_size_0:
called_computation.1_lowered:
.L_overlay_start_0:
0x88: {  	s2 =	sld [smem:$0x3FD9]  }
0x89: {  	s3 =	sld [smem:$0x3FFE];
	_ =	sdelay $0x1  }
0x8a: {  	s1 =	srdreg.scid  }
0x8b: {  	s0 =	sand.u32 $0x1, s1  }
0x8c: {  	s16 =	sshll.u32 s0, $0xA;
	s2 =	sadd.s32 s3, s2  }
0x8d: {  	s2 =	sadd.s32 s2, s16  }
0x8e: {  	[smem:$0x3FBC] =	sst s2  }
0x8f: {  	_ = 	snop  }
0x90: {  	(tm) =	ssettm $0x1  }
0x91: {  	s17 =	sld [smem:$0x3FFB];
	_ =	sdelay $0x3  }
0x92: {  	_ =	strace s17  }
0x93: {  	s2 =	sld [smem:$0x3FFC];
	_ =	sdelay $0x3  }
0x94: {  	_ =	strace s2  }
0x95: {  	s2 =	sld [smem:$0x3FFD];
	_ =	sdelay $0x3  }
0x96: {  	_ =	strace s2  }
0x97: {  	_ =	strace $0x8FFFFFFF  }
0x98: {  	s18 =	sld [smem:$0x3FDB];
	_ =	sdelay $0x1  }
0x99: {  	s19 =	simm.s32 $_scs_section_size  }
0x9a: {  	s4 =	simm.s32 $_size__tile_overlayer_lowered;
	s5 =	simm.s32 $_tile_overlayer_lowered  }
0x9b: {  	s22 =	simm.s32 $0x1BFF;
	s21 =	sshll.u32 s5, $0x1;
	s2 =	sadd.s32 s19, s18  }
0x9c: {  	s6 =	simm.s32 $0x0;
	s20 =	sshll.u32 s4, $0x1;
	s4 =	sadd.s32 s21, s2  }
0x9d: {  	[timem:s6], [sflag:s22] =	dma.local [hbm:s4], s20  }
0x9e: {  	_ =	swait.ge [sflag:s22], s20  }
0x9f: {  	s3 =	ssub.s32 $0x0, s20;
	[sflag:s22] =	ssyncset.done $0x0  }
0xa0: {  	[sflag:s22] =	ssyncadd.s32 s3;
	_ =	sdelay $0x1  }
0xa1: {  	s23 =	simm.s32 $0x1B8B  }
0xa2: {  	_ =	swait.ge [sflag:s23], $0x1  }
0xa3: {  	[sflag:s23] =	ssyncset.done $0x0  }
0xa4: {  	s25 =	simm.s32 $0x1B8E;
	s24 =	sld [smem:$0x3FFE];
	[sflag:s23] =	ssyncadd.s32 $0xFFFFFFFF  }
0xa5: {  	s26 =	simm.s32 $execute0_lowered;
	[smem:$0x3FD2] =	sst s25  }
0xa6: {  	s4 =	sshll.u32 s26, $0x1;
	_ =	strace $0x80000049;
	[dreg:$0x1] =	wrdreg $0xFFFFFFFF  }
0xa7: {  	s28 =	simm.s32 $_size_execute0_lowered;
	s2 =	sadd.s32 s2, s4;
	[dreg:$0x0] =	wrdreg $0x0  }
0xa8: {  	s4 =	sshll.u32 s28, $0x1;
	[dreg:$0x2] =	wrdreg s2  }
0xa9: {  	[dreg:$0x3] =	wrdreg s4  }
0xaa: {  	[dreg:$0x4] =	wrdreg $0xC0  }
0xab: {  	_ =	task [dreg:s6], $0x5FFFF  }
0xac: {  	[dreg:$0x1] =	wrdreg $0xFFFFFFFF  }
0xad: {  	[dreg:$0x0] =	wrdreg $0x60  }
0xae: {  	[dreg:$0x2] =	wrdreg s24  }
0xaf: {  	[dreg:$0x3] =	wrdreg $0xC0000  }
0xb0: {  	[dreg:$0x4] =	wrdreg $0x9  }
0xb1: {  	_ =	task.clear_ibuf [dreg:s6], $0x5FFFF;
	_ =	strace $0x90000049  }
0xb2: {  	s29 =	simm.s32 $0x9;
	_ =	strace $0x8000004B  }
0xb3: {  	_ =	swait.ge [sflag:s29], $0x1  }
0xb4: {  	[sflag:s29] =	ssyncadd.s32 $0xFFFFFFFF  }
0xb5: {  	_ =	strace $0x9000004B  }
0xb6: {  	_ =	sfence  }
0xb7: {  	s30 =	sld [smem:$0x0];
	_ =	sdelay $0x2  }
0xb8: {  	s31 =	sshll.u32 s1, $0xD;
	s1 =	sshrl.u32 s1, $0x2  }
0xb9: {  	s3 =	sand.u32 $0x4000, s31;
	s1 =	sadd.s32 s1, s30  }
0xba: {  	s0 =	sor.u32 s3, s0;
	s1 =	sshll.u32 s1, $0x11  }
0xbb: {  	s0 =	sor.u32 s1, s0  }
0xbc: {  	s0 =	sadd.s32 $0x8F2B, s0  }
0xbd: {  	[sflag:s0] =	ssyncadd.remote.s32 $0x1  }
0xbe: {  	_ =	sfence.sel $0xFFFF  }
0xbf: {  	[dreg:$0x0] =	wrdreg $0xFFFFFFFF;
	(pc) =	sbr.abs _section_cstart, $3  }
0xc0: {  	[dreg:$0x1] =	wrdreg $0xFFFFFFFF  }
0xc1: {  	_ =	task.clear_ibuf [dreg:s6], $0x2FFFF;
	_ =	strace $0x9FFFFFFF  }
0xc2: {  	(tm) =	ssettm $0x7FFFFFFF  }
0xc3: {  	_ =	shalt  }
tec
execute0_lowered:
.L_overlay_start_1:
0x0: {  	(tag) =	ssettag $0x1  }
0x1: {  	s0 =	srdreg.scid;
	s1 =	rddreg [dreg:$0x0]  }
0x2: {  	s2 =	rddreg [dreg:$0x1];
	s10 =	stileid.u32;
	s3 =	simm.s32 $0x0  }
0x3: {  	s11 =	simm.s32 $0x4;
	s0 =	sand.u32 $0x1, s0;
	s6 =	smul.u32 $0x50000, s10  }
0x4: {  	[smem:$0x7FF] =	sst s3;
	s9 =	smul.u32 $0x13800, s10;
	p0 =	seq.s32 s10, $0xF  }
0x5: {  	s4 =	sshll.u32 s0, $0x4;
	_ =	strace $0x8000004A;
	s7 =	ssub.s32 $0x2, s0  }
0x6: {  	s0 =	smul.u32 $0x138800, s0;
	s4 =	sor.u32 s10, s4;
	s18 =	sshrl.u32 s7, $0x1  }
0x7: {  	s19 =	sshrl.u32 s6, $0x2;
	s10 =	simm.s32 $0xB000;
	s5 =	smul.u32 $0xA00, s4  }
0x8: {  	s4 =	sadd.s32 $0x2A400, s1;
	s7 =	ssub.s32 s7, s18;
	s21 =	sadd.s32 s9, s0  }
0x9: {  	s0 =	sshrl.u32 s0, $0x3;
	s6 =	sshrl.u32 s21, $0x3;
	s22 =	smax.u32 s7, $0x1  }
0xa: {  	s7 =	simm.s32 $0x1;
	s8 =	sadd.s32 s5, s1;
	s1 =	sadd.s32 $0x51600, s1  }
0xb: {  	s5 =	sadd.s32 s19, s2;
	[dreg:$0x7] =	wrdreg s22;
	s20 =	sadd.s32 $0x16400, s8  }
0xc: {  	s8 =	sadd.s32 $0x2400, s8;
	s6 =	sadd.s32 s1, s6;
	s0 =	sadd.s32 s1, s0  }
0xd: {  	s23 =	sadd.s32 $0x1000, s5;
	s24 =	sadd.s32 $0x2000, s5;
	s25 =	sadd.s32 $0x3000, s5  }
0xe: {  	s26 =	sadd.s32 $0x4000, s5;
	s15 =	sadd.s32 $0x5000, s5;
	s16 =	sadd.s32 $0x6000, s5  }
0xf: {  	s17 =	sadd.s32 $0x7000, s5;
	s18 =	sadd.s32 $0x8000, s5;
	[dreg:$0x3] =	wrdreg s20  }
0x10: {  	s19 =	sadd.s32 $0x9000, s5;
	s21 =	sadd.s32 $0xB000, s5;
	[dreg:$0x4] =	wrdreg s8  }
0x11: {  	s22 =	sadd.s32 $0xC000, s5;
	s28 =	sadd.s32 $0xF000, s5;
	[dreg:$0x5] =	wrdreg s6  }
0x12: {  	s29 =	sadd.s32 $0x10000, s5;
	s30 =	sadd.s32 $0x11000, s5;
	[dreg:$0x8] =	wrdreg s23  }
0x13: {  	s31 =	sadd.s32 $0x12000, s5;
	s1 =	simm.s32 $0xA000;
	[dreg:$0x9] =	wrdreg s24  }
0x14: {  	s6 =	sadd.s32 s9, s2;
	s0 =	sadd.s32 $0x24900, s0;
	[dreg:$0xa] =	wrdreg s25  }
0x15: {  	[dreg:$0xb] =	wrdreg s26;
	s20 =	sadd.s32 $0xA000, s5;
	s23 =	sadd.s32 $0xD000, s5  }
0x16: {  	s26 =	sadd.s32 $0xE000, s5;
	s8 =	simm.s32 $0x2;
	s9 =	simm.s32 $0x7D  }
0x17: {  	[dreg:$0x6] =	wrdreg s0;
	s0 =	sadd.s32 $0x124800, s2;
	s25 =	sshrl.u32 @!p0 s6, $0x3  }
0x18: {  	v0 =	vimm.f32 $0.0e+00;
	s6 =	simm.s32 $0x3;
	s24 =	sshrl.u32 @p0 s0, $0x3;
	s0 =	sadd.s32 $0x13000, s5  }
.LBB2_1:
0x19: {  	s12 =	simm.s32 $0x80;
	s13 =	simm.s32 $0x0  }
.LBB2_2:
0x1a: {  	p1 =	sne.s32 s12, $0x3F80;
	[tilespmem:s13+$0xA000] =	vst v0;
	s14 =	smov.u32 s12;
	s12 =	sadd.s32 $0x80, s12  }
.Ltmp0:
0x1b: {  	[tilespmem:s13+$0xA010] =	vst v0;
	(pc) =	sbr.rel @p1 .LBB2_2-.Ltmp0, $2  }
0x1c: {  	_ =	sdelay $0x2  }
0x1d: {  	s13 =	sshra.s32 s14, $0x2  }
0x1e: {  	[tilespmem:s13+$0xA000] =	vst v0  }
0x1f: {  	[tilespmem:s13+$0xA010] =	vst v0  }
0x20: {  	[spmem:s5] =	stream.linear.scatter [tilespmem:s1], [sflag:$0x3], $0x1000, $0x38;
	v63 =	vld [tilespmem:$0x0]  }
0x21: {  	s12 =	rddreg [dreg:$0x8]  }
0x22: {  	[spmem:s12] =	stream.linear.scatter [tilespmem:s1], [sflag:$0x3], $0x1000, $0x38;
	v63 =	vld [tilespmem:$0x0]  }
0x23: {  	s13 =	rddreg [dreg:$0x9]  }
0x24: {  	[spmem:s13] =	stream.linear.scatter [tilespmem:s1], [sflag:$0x3], $0x1000, $0x38;
	v63 =	vld [tilespmem:$0x0]  }
0x25: {  	s14 =	rddreg [dreg:$0xa]  }
0x26: {  	[spmem:s14] =	stream.linear.scatter [tilespmem:s1], [sflag:$0x3], $0x1000, $0x38;
	v63 =	vld [tilespmem:$0x0]  }
0x27: {  	s13 =	rddreg [dreg:$0xb]  }
0x28: {  	[spmem:s13] =	stream.linear.scatter [tilespmem:s1], [sflag:$0x3], $0x1000, $0x38;
	v63 =	vld [tilespmem:$0x0]  }
0x29: {  	_ = 	snop  }
0x2a: {  	[spmem:s15] =	stream.linear.scatter [tilespmem:s1], [sflag:$0x3], $0x1000, $0x38;
	v63 =	vld [tilespmem:$0x0]  }
0x2b: {  	_ = 	snop  }
0x2c: {  	[spmem:s16] =	stream.linear.scatter [tilespmem:s1], [sflag:$0x3], $0x1000, $0x38;
	v63 =	vld [tilespmem:$0x0]  }
0x2d: {  	_ = 	snop  }
0x2e: {  	[spmem:s17] =	stream.linear.scatter [tilespmem:s1], [sflag:$0x3], $0x1000, $0x38;
	v63 =	vld [tilespmem:$0x0]  }
0x2f: {  	_ = 	snop  }
0x30: {  	[spmem:s18] =	stream.linear.scatter [tilespmem:s1], [sflag:$0x3], $0x1000, $0x38;
	v63 =	vld [tilespmem:$0x0]  }
0x31: {  	_ = 	snop  }
0x32: {  	[spmem:s19] =	stream.linear.scatter [tilespmem:s1], [sflag:$0x3], $0x1000, $0x38;
	v63 =	vld [tilespmem:$0x0]  }
0x33: {  	_ = 	snop  }
0x34: {  	[spmem:s20] =	stream.linear.scatter [tilespmem:s1], [sflag:$0x3], $0x1000, $0x38;
	v63 =	vld [tilespmem:$0x0]  }
0x35: {  	_ = 	snop  }
0x36: {  	[spmem:s21] =	stream.linear.scatter [tilespmem:s1], [sflag:$0x3], $0x1000, $0x38;
	v63 =	vld [tilespmem:$0x0]  }
0x37: {  	_ = 	snop  }
0x38: {  	[spmem:s22] =	stream.linear.scatter [tilespmem:s1], [sflag:$0x3], $0x1000, $0x38;
	v63 =	vld [tilespmem:$0x0]  }
0x39: {  	_ = 	snop  }
0x3a: {  	[spmem:s23] =	stream.linear.scatter [tilespmem:s1], [sflag:$0x3], $0x1000, $0x38;
	v63 =	vld [tilespmem:$0x0]  }
0x3b: {  	_ = 	snop  }
0x3c: {  	[spmem:s26] =	stream.linear.scatter [tilespmem:s1], [sflag:$0x3], $0x1000, $0x38;
	v63 =	vld [tilespmem:$0x0]  }
0x3d: {  	_ = 	snop  }
0x3e: {  	[spmem:s28] =	stream.linear.scatter [tilespmem:s1], [sflag:$0x3], $0x1000, $0x38;
	v63 =	vld [tilespmem:$0x0]  }
0x3f: {  	_ = 	snop  }
0x40: {  	[spmem:s29] =	stream.linear.scatter [tilespmem:s1], [sflag:$0x3], $0x1000, $0x38;
	v63 =	vld [tilespmem:$0x0]  }
0x41: {  	_ = 	snop  }
0x42: {  	[spmem:s30] =	stream.linear.scatter [tilespmem:s1], [sflag:$0x3], $0x1000, $0x38;
	v63 =	vld [tilespmem:$0x0]  }
0x43: {  	_ = 	snop  }
0x44: {  	[spmem:s31] =	stream.linear.scatter [tilespmem:s1], [sflag:$0x3], $0x1000, $0x38;
	v63 =	vld [tilespmem:$0x0]  }
0x45: {  	_ = 	snop  }
0x46: {  	[spmem:s0] =	stream.linear.scatter [tilespmem:s1], [sflag:$0x3], $0x1000, $0x38;
	v63 =	vld [tilespmem:$0x0]  }
0x47: {  	s12 =	simm.s32 $0x0;
	s14 =	rddreg [dreg:$0x3]  }
0x48: {  	[tilespmem:s12], [sflag:$0x1] =	stream.linear.gather [hbm4b:s14+s12], $0x5000, $0x38;
	v63 =	vld [tilespmem:$0x0]  }
0x49: {  	s13 =	rddreg [dreg:$0x4];
	s14 =	simm.s32 $0x5000  }
0x4a: {  	[tilespmem:s14], [sflag:$0x2] =	stream.linear.gather [hbm4b:s13+s12], $0x5000, $0x38;
	v63 =	vld [tilespmem:$0x0]  }
0x4b: {  	_ =	swait.ge [sflag:s6], $0x1000  }
0x4c: {  	[sflag:s6] =	ssyncset.done $0x0  }
0x4d: {  	[sflag:s6] =	ssyncadd.s32 $0xFFFFF000  }
0x4e: {  	_ =	swait.ge [sflag:s6], $0x1000  }
0x4f: {  	[sflag:s6] =	ssyncset.done $0x0  }
0x50: {  	[sflag:s6] =	ssyncadd.s32 $0xFFFFF000  }
0x51: {  	_ =	swait.ge [sflag:s6], $0x1000  }
0x52: {  	[sflag:s6] =	ssyncset.done $0x0  }
0x53: {  	[sflag:s6] =	ssyncadd.s32 $0xFFFFF000  }
0x54: {  	_ =	swait.ge [sflag:s6], $0x1000  }
0x55: {  	[sflag:s6] =	ssyncset.done $0x0  }
0x56: {  	[sflag:s6] =	ssyncadd.s32 $0xFFFFF000  }
0x57: {  	_ =	swait.ge [sflag:s6], $0x1000  }
0x58: {  	[sflag:s6] =	ssyncset.done $0x0  }
0x59: {  	[sflag:s6] =	ssyncadd.s32 $0xFFFFF000  }
0x5a: {  	_ =	swait.ge [sflag:s6], $0x1000  }
0x5b: {  	[sflag:s6] =	ssyncset.done $0x0  }
0x5c: {  	[sflag:s6] =	ssyncadd.s32 $0xFFFFF000  }
0x5d: {  	_ =	swait.ge [sflag:s6], $0x1000  }
0x5e: {  	[sflag:s6] =	ssyncset.done $0x0  }
0x5f: {  	[sflag:s6] =	ssyncadd.s32 $0xFFFFF000  }
0x60: {  	_ =	swait.ge [sflag:s6], $0x1000  }
0x61: {  	[sflag:s6] =	ssyncset.done $0x0  }
0x62: {  	[sflag:s6] =	ssyncadd.s32 $0xFFFFF000  }
0x63: {  	_ =	swait.ge [sflag:s6], $0x1000  }
0x64: {  	[sflag:s6] =	ssyncset.done $0x0  }
0x65: {  	[sflag:s6] =	ssyncadd.s32 $0xFFFFF000  }
0x66: {  	_ =	swait.ge [sflag:s6], $0x1000  }
0x67: {  	[sflag:s6] =	ssyncset.done $0x0  }
0x68: {  	[sflag:s6] =	ssyncadd.s32 $0xFFFFF000  }
0x69: {  	_ =	swait.ge [sflag:s6], $0x1000  }
0x6a: {  	[sflag:s6] =	ssyncset.done $0x0  }
0x6b: {  	[sflag:s6] =	ssyncadd.s32 $0xFFFFF000  }
0x6c: {  	_ =	swait.ge [sflag:s6], $0x1000  }
0x6d: {  	[sflag:s6] =	ssyncset.done $0x0  }
0x6e: {  	[sflag:s6] =	ssyncadd.s32 $0xFFFFF000  }
0x6f: {  	_ =	swait.ge [sflag:s6], $0x1000  }
0x70: {  	[sflag:s6] =	ssyncset.done $0x0  }
0x71: {  	[sflag:s6] =	ssyncadd.s32 $0xFFFFF000  }
0x72: {  	_ =	swait.ge [sflag:s6], $0x1000  }
0x73: {  	[sflag:s6] =	ssyncset.done $0x0  }
0x74: {  	[sflag:s6] =	ssyncadd.s32 $0xFFFFF000  }
0x75: {  	_ =	swait.ge [sflag:s6], $0x1000  }
0x76: {  	[sflag:s6] =	ssyncset.done $0x0  }
0x77: {  	[sflag:s6] =	ssyncadd.s32 $0xFFFFF000  }
0x78: {  	_ =	swait.ge [sflag:s6], $0x1000  }
0x79: {  	[sflag:s6] =	ssyncset.done $0x0  }
0x7a: {  	[sflag:s6] =	ssyncadd.s32 $0xFFFFF000  }
0x7b: {  	_ =	swait.ge [sflag:s6], $0x1000  }
0x7c: {  	[sflag:s6] =	ssyncset.done $0x0  }
0x7d: {  	[sflag:s6] =	ssyncadd.s32 $0xFFFFF000  }
0x7e: {  	_ =	swait.ge [sflag:s6], $0x1000  }
0x7f: {  	[sflag:s6] =	ssyncset.done $0x0  }
0x80: {  	[sflag:s6] =	ssyncadd.s32 $0xFFFFF000  }
0x81: {  	_ =	swait.ge [sflag:s6], $0x1000  }
0x82: {  	[sflag:s6] =	ssyncset.done $0x0  }
0x83: {  	[sflag:s6] =	ssyncadd.s32 $0xFFFFF000  }
0x84: {  	_ =	swait.ge [sflag:s6], $0x1000  }
0x85: {  	[sflag:s6] =	ssyncset.done $0x0  }
0x86: {  	[sflag:s6] =	ssyncadd.s32 $0xFFFFF000  }
0x87: {  	_ =	swait.ge [sflag:s7], $0x5000  }
0x88: {  	[sflag:s7] =	ssyncset.done $0x0  }
0x89: {  	[sflag:s7] =	ssyncadd.s32 $0xFFFFB000  }
0x8a: {  	_ =	swait.ge [sflag:s8], $0x5000  }
0x8b: {  	[sflag:s8] =	ssyncset.done $0x0  }
0x8c: {  	[sflag:s8] =	ssyncadd.s32 $0xFFFFB000  }
0x8d: {  	[bflag:$0x0] =	sbarrier.arrive $0xFFFF  }
0x8e: {  	[tilespmem:s1], [sflag:$0x1] =	stream.indirect.gather [hbm4b:s4+s9], $0x20, s12, s9, $0xb8;
	v63 =	vld [tilespmem:$0x0]  }
0x8f: {  	s13 =	simm.s32 $0x80  }
0x90: {  	[tilespmem:s10], [sflag:$0x2] =	stream.indirect.gather [hbm4b:s4+s9], $0x20, s13, s9, $0xb8;
	v63 =	vld [tilespmem:$0x0]  }
0x91: {  	_ =	swait.ge [sflag:s7], $0xFA0  }
0x92: {  	[sflag:s7] =	ssyncset.done $0x0  }
0x93: {  	s14 =	simm.s32 $0x5000;
	[sflag:s7] =	ssyncadd.s32 $0xFFFFF060  }
0x94: {  	[spmem:s2] =	stream.indirect.scatter.add.f32 [tilespmem:s1], [sflag:$0x3], $0x20, s14, s9, $0xb8;
	v63 =	vld [tilespmem:$0x0]  }
0x95: {  	_ =	swait.ge [sflag:s8], $0xFA0  }
0x96: {  	[sflag:s8] =	ssyncset.done $0x0  }
0x97: {  	s13 =	simm.s32 $0x5080;
	[sflag:s8] =	ssyncadd.s32 $0xFFFFF060  }
0x98: {  	[spmem:s2] =	stream.indirect.scatter.add.f32 [tilespmem:s10], [sflag:$0x4], $0x20, s13, s9, $0xb8;
	v63 =	vld [tilespmem:$0x0]  }
0x99: {  	_ =	swait.ge [sflag:s6], $0xFA0  }
0x9a: {  	[sflag:s6] =	ssyncset.done $0x0  }
0x9b: {  	s14 =	simm.s32 $0x100;
	[sflag:s6] =	ssyncadd.s32 $0xFFFFF060  }
0x9c: {  	[tilespmem:s1], [sflag:$0x1] =	stream.indirect.gather [hbm4b:s4+s9], $0x20, s14, s9, $0xb8;
	v63 =	vld [tilespmem:$0x0]  }
0x9d: {  	_ =	swait.ge [sflag:s11], $0xFA0  }
0x9e: {  	[sflag:s11] =	ssyncset.done $0x0  }
0x9f: {  	s12 =	simm.s32 $0x400;
	s13 =	simm.s32 $0x180;
	[sflag:s11] =	ssyncadd.s32 $0xFFFFF060  }
.LBB2_4:
0xa0: {  	[tilespmem:s10], [sflag:$0x2] =	stream.indirect.gather [hbm4b:s4+s9], $0x20, s13, s9, $0xb8;
	v63 =	vld [tilespmem:$0x0]  }
0xa1: {  	s13 =	smov.u32 s12  }
0xa2: {  	p1 =	sne.s32 s12, $0x13800;
	s12 =	sadd.s32 $0x400, s12;
	_ =	swait.ge [sflag:s7], $0xFA0  }
0xa3: {  	s13 =	sshra.s32 s13, $0x2;
	[sflag:s7] =	ssyncset.done $0x0  }
0xa4: {  	s14 =	sadd.s32 $0x5000, s13;
	[sflag:s7] =	ssyncadd.s32 $0xFFFFF060  }
0xa5: {  	[spmem:s2] =	stream.indirect.scatter.add.f32 [tilespmem:s1], [sflag:$0x3], $0x20, s14, s9, $0xb8;
	v63 =	vld [tilespmem:$0x0]  }
0xa6: {  	_ =	swait.ge [sflag:s8], $0xFA0  }
0xa7: {  	[sflag:s8] =	ssyncset.done $0x0  }
0xa8: {  	s14 =	sadd.s32 $0x5080, s13;
	[sflag:s8] =	ssyncadd.s32 $0xFFFFF060  }
0xa9: {  	[spmem:s2] =	stream.indirect.scatter.add.f32 [tilespmem:s10], [sflag:$0x4], $0x20, s14, s9, $0xb8;
	v63 =	vld [tilespmem:$0x0]  }
0xaa: {  	_ =	swait.ge [sflag:s6], $0xFA0  }
0xab: {  	[sflag:s6] =	ssyncset.done $0x0  }
.Ltmp1:
0xac: {  	s14 =	sadd.s32 $0x100, s13;
	[sflag:s6] =	ssyncadd.s32 $0xFFFFF060;
	(pc) =	sbr.rel @p1 .LBB2_4-.Ltmp1, $4  }
0xad: {  	[tilespmem:s1], [sflag:$0x1] =	stream.indirect.gather [hbm4b:s4+s9], $0x20, s14, s9, $0xb8;
	v63 =	vld [tilespmem:$0x0]  }
0xae: {  	_ =	swait.ge [sflag:s11], $0xFA0  }
0xaf: {  	[sflag:s11] =	ssyncset.done $0x0  }
0xb0: {  	s13 =	sadd.s32 $0x180, s13;
	[sflag:s11] =	ssyncadd.s32 $0xFFFFF060  }
0xb1: {  	[tilespmem:s10], [sflag:$0x2] =	stream.indirect.gather [hbm4b:s4+s9], $0x20, s13, s9, $0xb8;
	v63 =	vld [tilespmem:$0x0]  }
0xb2: {  	_ =	swait.ge [sflag:s7], $0xFA0  }
0xb3: {  	[sflag:s7] =	ssyncset.done $0x0  }
0xb4: {  	s12 =	simm.s32 $0x9F00;
	[sflag:s7] =	ssyncadd.s32 $0xFFFFF060  }
0xb5: {  	[spmem:s2] =	stream.indirect.scatter.add.f32 [tilespmem:s1], [sflag:$0x3], $0x20, s12, s9, $0xb8;
	v63 =	vld [tilespmem:$0x0]  }
0xb6: {  	_ =	swait.ge [sflag:s8], $0xFA0  }
0xb7: {  	[sflag:s8] =	ssyncset.done $0x0  }
0xb8: {  	s13 =	simm.s32 $0x9F80;
	[sflag:s8] =	ssyncadd.s32 $0xFFFFF060  }
0xb9: {  	[spmem:s2] =	stream.indirect.scatter.add.f32 [tilespmem:s10], [sflag:$0x4], $0x20, s13, s9, $0xb8;
	v63 =	vld [tilespmem:$0x0]  }
0xba: {  	_ =	swait.ge [sflag:s6], $0xFA0  }
0xbb: {  	[sflag:s6] =	ssyncset.done $0x0  }
0xbc: {  	[sflag:s6] =	ssyncadd.s32 $0xFFFFF060  }
0xbd: {  	_ =	swait.ge [sflag:s11], $0xFA0  }
0xbe: {  	[sflag:s11] =	ssyncset.done $0x0  }
0xbf: {  	[sflag:s11] =	ssyncadd.s32 $0xFFFFF060  }
0xc0: {  	[bflag:$0x0] =	sbarrier.arrive $0xFFFF  }
0xc1: {  	s12 =	simm.s32 @p0 $0x1FC5;
	s13 =	rddreg [dreg:$0x6]  }
0xc2: {  	[hbm:s13], [sflag:s12] =	dma.local @p0 [spmem:s24], $0x2800  }
0xc3: {  	s12 =	simm.s32 @p0 $0x5  }
0xc4: {  	s13 =	stileid.u32;
	_ =	swait.ge @p0 [sflag:s12], $0x2800  }
0xc5: {  	s13 =	sshll.u32 @!p0 s13, $0x6;
	[sflag:s12] =	ssyncset.done @p0 $0x0  }
0xc6: {  	[sflag:s12] =	ssyncadd.s32 @p0 $0xFFFFD800;
	s12 =	sor.u32 @!p0 $0x1C05, s13;
	s13 =	rddreg [dreg:$0x5]  }
0xc7: {  	[hbm:s13], [sflag:s12] =	dma.local @!p0 [spmem:s25], $0x2700  }
0xc8: {  	s12 =	simm.s32 @!p0 $0x5  }
0xc9: {  	_ =	swait.ge @!p0 [sflag:s12], $0x2700  }
0xca: {  	s3 =	sadd.s32 $0x1, s3;
	s14 =	rddreg [dreg:$0x7]  }
0xcb: {  	p1 =	sne.s32 s3, s14  }
.Ltmp2:
0xcc: {  	_ = 	snop;
	(pc) =	sbr.rel @p1 .LBB2_1-.Ltmp2, $3  }
0xcd: {  	_ =	sdelay $0x1  }
0xce: {  	[sflag:s12] =	ssyncset.done @!p0 $0x0  }
0xcf: {  	[sflag:s12] =	ssyncadd.s32 @!p0 $0xFFFFD900  }
0xd0: {  	_ =	sfence.sel $0x180000  }
0xd1: {  	[bflag:$0x0] =	sbarrier.arrive $0xFFFF  }
0xd2: {  	_ =	strace $0x9000004A  }
0xd3: {  	s0 =	stileid.u32;
	[bflag:$0x2] =	sbarrier.arrive $0xFFFF  }
0xd4: {  	p0 =	sne.s32 s0, $0x0;
	s0 =	rddreg [dreg:$0x2]  }
0xd5: {  	s0 =	sadd.s32 @!p0 $0x100000, s0  }
0xd6: {  	[sflag:s0] =	ssyncadd.tile.s32 @!p0 $0x1;
	_ =	shalt  }
.Lfunc_end2:
_tile_overlayer_lowered:
.L_overlay_start_2:
0xd7: {  	(tag) =	ssettag $0x2  }
0xd8: {  	s0 =	rddreg [dreg:$0x0];
	s2 =	stileid.u32  }
0xd9: {  	s1 =	rddreg [dreg:$0x1];
	p0 =	sne.s32 s2, $0x0  }
0xda: {  	s3 =	rddreg [dreg:$0x2];
	[bflag:$0x3] =	sbarrier.arrive $0xFFFF;
	s2 =	simm.s32 @!p0 $0x1C05  }
0xdb: {  	[timem:s3], [sflag:s2] =	dma.local @!p0 [hbm:s0], s1  }
0xdc: {  	s0 =	simm.s32 @!p0 $0x5  }
0xdd: {  	_ =	swait.ge @!p0 [sflag:s0], s1  }
0xde: {  	s1 =	ssub.s32 @!p0 $0x0, s1;
	[sflag:s0] =	ssyncset.done @!p0 $0x0  }
0xdf: {  	[sflag:s0] =	ssyncadd.s32 @!p0 s1  }
0xe0: {  	[bflag:$0x3] =	sbarrier.arrive $0xFFFF  }
0xe1: {  	_ =	shalt  }

// kernel: kernel.7.cloned.1.call-start
scs
__scs_entry_jumppad:
0x0: {  	(pc) =	sbr.rel $0x88, $3  }
0x1: {  	(tag) =	ssettag $0x0;
	lr =	simm.s32 $0x1  }
0x2: {  	[smem:$0x3F95] =	sst lr;
	_ =	strace $0xD0000000  }
0x3: {  	_ = 	snop  }
0x4: {  	_ = 	snop  }
0x5: {  	_ = 	snop  }
0x6: {  	_ = 	snop  }
0x7: {  	_ = 	snop  }
__scs_overlays_trampoline_lowered:
0x8: {  	[smem:$0x3FA4] =	sst s0  }
0x9: {  	[smem:$0x3FA5] =	sst s1  }
0xa: {  	[smem:$0x3FA6] =	sst s2  }
0xb: {  	[smem:$0x3FA7] =	sst s3  }
0xc: {  	[smem:$0x3FA8] =	sst s4  }
0xd: {  	[smem:$0x3FA9] =	sst s5  }
0xe: {  	[smem:$0x3FAA] =	sst s6  }
0xf: {  	[smem:$0x3FAB] =	sst s7  }
0x10: {  	[smem:$0x3FAC] =	sst s8  }
0x11: {  	[smem:$0x3FAD] =	sst s9;
	s0 =	simm.s32 @!p0 $0x0  }
0x12: {  	s1 =	sld [smem:$0x3F93];
	s0 =	simm.s32 @p0 $0x1  }
0x13: {  	[smem:$0x3FAE] =	sst s0;
	s0 =	simm.s32 @!p1 $0x0  }
0x14: {  	s2 =	sld [smem:$0x3F92];
	s0 =	simm.s32 @p1 $0x1  }
0x15: {  	[smem:$0x3FAF] =	sst s0;
	s0 =	simm.s32 @!p2 $0x0  }
0x16: {  	s3 =	sld [smem:$0x3FDB];
	s0 =	simm.s32 @p2 $0x1  }
0x17: {  	s4 =	simm.s32 $0x1BF5;
	[smem:$0x3FB1] =	sst s0  }
0x18: {  	s0 =	sld [smem:$0x3F94];
	_ =	swait.ge [sflag:s4], $0x0  }
0x19: {  	s7 =	sld [smem:$0x3F95]  }
0x1a: {  	s8 =	sadd.s32 $0xFFFFE003, lr  }
0x1b: {  	s9 =	sadd.s32 $0xFFFFFEF7, lr;
	s5 =	simm.s32 $0xFFFFFFFF;
	p2 =	slt.u32 s8, $0xFFFFF086  }
0x1c: {  	p1 =	slt.u32 s9, $0xF7A;
	s5 =	simm.s32 @!p2 $0x0  }
0x1d: {  	s5 =	simm.s32 @p1 $0x1;
	p0 =	seq.s32 s7, s2  }
0x1e: {  	s7 =	smul.u32 @!p0 $0xF7A, s2;
	p2 =	seq.s32 @!p0 s5, $0x0  }
0x1f: {  	s9 =	smul.u32 $0xF7A, s1;
	s8 =	simm.s32 @!p0 $0x1BF5;
	p2 =	por !p2, p0  }
0x20: {  	[sflag:s8] =	ssyncset.s32 @!p0 $0xFFFFF086;
	s6 =	sadd.s32 @!p0 s3, s7;
	s7 =	simm.s32 @!p0 $0x108  }
0x21: {  	s3 =	sadd.s32 s3, s9;
	s6 =	sadd.s32 @!p0 $0x88, s6;
	s7 =	simm.s32 @p2 $0x1082  }
0x22: {  	[simem:s7], [sflag:s8] =	dma.local @!p0 [hbm:s6], $0xF7A  }
0x23: {  	s9 =	sor.u32 $0xD0000000, s2;
	s6 =	simm.s32 $0x108;
	_ =	swait.ge @!p0 [sflag:s8], $0x0  }
0x24: {  	s3 =	sadd.s32 $0x88, s3;
	s6 =	simm.s32 @!p1 $0x1082;
	[sflag:s4] =	ssyncset.s32 $0xFFFFF086  }
0x25: {  	[simem:s6], [sflag:s4] =	dma.local [hbm:s3], $0xF7A  }
0x26: {  	[smem:$0x3F95] =	sst s1;
	(tag) =	ssettag s2;
	_ =	strace s9  }
0x27: {  	s1 =	sld [smem:$0x3FA5]  }
0x28: {  	s2 =	sld [smem:$0x3FA6]  }
0x29: {  	s4 =	sld [smem:$0x3FA8]  }
0x2a: {  	p0 =	seq.s32 s5, $0x0;
	s5 =	sld [smem:$0x3FA9]  }
0x2b: {  	s6 =	sld [smem:$0x3FAA]  }
0x2c: {  	s7 =	sld [smem:$0x3FAB]  }
0x2d: {  	s3 =	simm.s32 $0x108;
	s8 =	sld [smem:$0x3FAC]  }
0x2e: {  	s3 =	simm.s32 @!p0 $0x1082;
	s9 =	sld [smem:$0x3FAD]  }
0x2f: {  	lr =	sadd.s32 s0, s3;
	s0 =	sld [smem:$0x3FA4]  }
0x30: {  	s3 =	sld [smem:$0x3FA7]  }
0x31: {  	[smem:$0x3FB0] =	sst s10  }
0x32: {  	s10 =	sld [smem:$0x3FAE];
	_ =	sdelay $0x3  }
0x33: {  	p0 =	seq.s32 s10, $0x1;
	s10 =	sld [smem:$0x3FB0];
	_ =	sdelay $0x3  }
0x34: {  	[smem:$0x3FB0] =	sst s10  }
0x35: {  	s10 =	sld [smem:$0x3FAF];
	_ =	sdelay $0x3  }
0x36: {  	p1 =	seq.s32 s10, $0x1;
	s10 =	sld [smem:$0x3FB0];
	_ =	sdelay $0x3  }
0x37: {  	[smem:$0x3FB0] =	sst s10  }
0x38: {  	s10 =	sld [smem:$0x3FB1]  }
0x39: {  	_ = 	snop;
	(pc) =	sbr.ind lr, $3  }
0x3a: {  	_ = 	snop  }
0x3b: {  	_ = 	snop  }
0x3c: {  	p2 =	seq.s32 s10, $0x1;
	s10 =	sld [smem:$0x3FB0]  }
0x3d: {  	_ =	shalt  }
0x3e: {  	_ =	shalt  }
0x3f: {  	_ =	shalt  }
0x40: {  	_ =	shalt  }
0x41: {  	_ =	shalt  }
0x42: {  	_ =	shalt  }
0x43: {  	_ =	shalt  }
0x44: {  	_ =	shalt  }
0x45: {  	_ =	shalt  }
0x46: {  	_ =	shalt  }
0x47: {  	_ =	shalt  }
0x48: {  	_ =	shalt  }
0x49: {  	_ =	shalt  }
0x4a: {  	_ =	shalt  }
0x4b: {  	_ =	shalt  }
0x4c: {  	_ =	shalt  }
0x4d: {  	_ =	shalt  }
0x4e: {  	_ =	shalt  }
0x4f: {  	_ =	shalt  }
0x50: {  	_ =	shalt  }
0x51: {  	_ =	shalt  }
0x52: {  	_ =	shalt  }
0x53: {  	_ =	shalt  }
0x54: {  	_ =	shalt  }
0x55: {  	_ =	shalt  }
0x56: {  	_ =	shalt  }
0x57: {  	_ =	shalt  }
0x58: {  	_ =	shalt  }
0x59: {  	_ =	shalt  }
0x5a: {  	_ =	shalt  }
0x5b: {  	_ =	shalt  }
0x5c: {  	_ =	shalt  }
0x5d: {  	_ =	shalt  }
0x5e: {  	_ =	shalt  }
0x5f: {  	_ =	shalt  }
0x60: {  	_ =	shalt  }
0x61: {  	_ =	shalt  }
0x62: {  	_ =	shalt  }
0x63: {  	_ =	shalt  }
0x64: {  	_ =	shalt  }
0x65: {  	_ =	shalt  }
0x66: {  	_ =	shalt  }
0x67: {  	_ =	shalt  }
0x68: {  	_ =	shalt  }
0x69: {  	_ =	shalt  }
0x6a: {  	_ =	shalt  }
0x6b: {  	_ =	shalt  }
0x6c: {  	_ =	shalt  }
0x6d: {  	_ =	shalt  }
0x6e: {  	_ =	shalt  }
0x6f: {  	_ =	shalt  }
0x70: {  	_ =	shalt  }
0x71: {  	_ =	shalt  }
0x72: {  	_ =	shalt  }
0x73: {  	_ =	shalt  }
0x74: {  	_ =	shalt  }
0x75: {  	_ =	shalt  }
0x76: {  	_ =	shalt  }
0x77: {  	_ =	shalt  }
0x78: {  	_ =	shalt  }
0x79: {  	_ =	shalt  }
0x7a: {  	_ =	shalt  }
0x7b: {  	_ =	shalt  }
0x7c: {  	_ =	shalt  }
0x7d: {  	_ =	shalt  }
0x7e: {  	_ =	shalt  }
0x7f: {  	_ =	shalt  }
0x80: {  	_ =	shalt  }
0x81: {  	_ =	shalt  }
0x82: {  	_ =	shalt  }
0x83: {  	_ =	shalt  }
0x84: {  	_ =	shalt  }
0x85: {  	_ =	shalt  }
0x86: {  	_ =	shalt  }
0x87: {  	_ =	shalt  }
.Lfunc_end0:
.L_simem_size_0:
called_computation_lowered:
.L_overlay_start_0:
0x88: {  	s2 =	sld [smem:$0x3FD9]  }
0x89: {  	s3 =	sld [smem:$0x3FFE];
	_ =	sdelay $0x1  }
0x8a: {  	s1 =	srdreg.scid  }
0x8b: {  	s0 =	sand.u32 $0x1, s1  }
0x8c: {  	s16 =	sshll.u32 s0, $0xA;
	s2 =	sadd.s32 s3, s2  }
0x8d: {  	s2 =	sadd.s32 s2, s16  }
0x8e: {  	[smem:$0x3FBC] =	sst s2  }
0x8f: {  	_ = 	snop  }
0x90: {  	(tm) =	ssettm $0x1  }
0x91: {  	s17 =	sld [smem:$0x3FFB];
	_ =	sdelay $0x3  }
0x92: {  	_ =	strace s17  }
0x93: {  	s2 =	sld [smem:$0x3FFC];
	_ =	sdelay $0x3  }
0x94: {  	_ =	strace s2  }
0x95: {  	s2 =	sld [smem:$0x3FFD];
	_ =	sdelay $0x3  }
0x96: {  	_ =	strace s2  }
0x97: {  	_ =	strace $0x8FFFFFFF  }
0x98: {  	s18 =	sld [smem:$0x3FDB];
	_ =	sdelay $0x1  }
0x99: {  	s19 =	simm.s32 $_scs_section_size  }
0x9a: {  	s4 =	simm.s32 $_size__tile_overlayer_lowered;
	s5 =	simm.s32 $_tile_overlayer_lowered  }
0x9b: {  	s22 =	simm.s32 $0x1BFF;
	s21 =	sshll.u32 s5, $0x1;
	s2 =	sadd.s32 s19, s18  }
0x9c: {  	s6 =	simm.s32 $0x0;
	s20 =	sshll.u32 s4, $0x1;
	s4 =	sadd.s32 s21, s2  }
0x9d: {  	[timem:s6], [sflag:s22] =	dma.local [hbm:s4], s20  }
0x9e: {  	_ =	swait.ge [sflag:s22], s20  }
0x9f: {  	s3 =	ssub.s32 $0x0, s20;
	[sflag:s22] =	ssyncset.done $0x0  }
0xa0: {  	[sflag:s22] =	ssyncadd.s32 s3;
	_ =	sdelay $0x1  }
0xa1: {  	s23 =	simm.s32 $0x1B8B  }
0xa2: {  	_ =	swait.ge [sflag:s23], $0x1  }
0xa3: {  	[sflag:s23] =	ssyncset.done $0x0  }
0xa4: {  	s25 =	simm.s32 $0x1B8E;
	s24 =	sld [smem:$0x3FFE];
	[sflag:s23] =	ssyncadd.s32 $0xFFFFFFFF  }
0xa5: {  	s26 =	simm.s32 $execute0_lowered;
	[smem:$0x3FD2] =	sst s25  }
0xa6: {  	s4 =	sshll.u32 s26, $0x1;
	_ =	strace $0x80000046;
	[dreg:$0x1] =	wrdreg $0xFFFFFFFF  }
0xa7: {  	s28 =	simm.s32 $_size_execute0_lowered;
	s2 =	sadd.s32 s2, s4;
	[dreg:$0x0] =	wrdreg $0x0  }
0xa8: {  	s4 =	sshll.u32 s28, $0x1;
	[dreg:$0x2] =	wrdreg s2  }
0xa9: {  	[dreg:$0x3] =	wrdreg s4  }
0xaa: {  	[dreg:$0x4] =	wrdreg $0xC0  }
0xab: {  	_ =	task [dreg:s6], $0x5FFFF  }
0xac: {  	[dreg:$0x1] =	wrdreg $0xFFFFFFFF  }
0xad: {  	[dreg:$0x0] =	wrdreg $0x60  }
0xae: {  	[dreg:$0x2] =	wrdreg s24  }
0xaf: {  	[dreg:$0x3] =	wrdreg $0xC0000  }
0xb0: {  	[dreg:$0x4] =	wrdreg $0x9  }
0xb1: {  	_ =	task.clear_ibuf [dreg:s6], $0x5FFFF;
	_ =	strace $0x90000046  }
0xb2: {  	s29 =	simm.s32 $0x9;
	_ =	strace $0x80000048  }
0xb3: {  	_ =	swait.ge [sflag:s29], $0x1  }
0xb4: {  	[sflag:s29] =	ssyncadd.s32 $0xFFFFFFFF  }
0xb5: {  	_ =	strace $0x90000048  }
0xb6: {  	_ =	sfence  }
0xb7: {  	s30 =	sld [smem:$0x0];
	_ =	sdelay $0x2  }
0xb8: {  	s31 =	sshll.u32 s1, $0xD;
	s1 =	sshrl.u32 s1, $0x2  }
0xb9: {  	s3 =	sand.u32 $0x4000, s31;
	s1 =	sadd.s32 s1, s30  }
0xba: {  	s0 =	sor.u32 s3, s0;
	s1 =	sshll.u32 s1, $0x11  }
0xbb: {  	s0 =	sor.u32 s1, s0  }
0xbc: {  	s0 =	sadd.s32 $0x8F2B, s0  }
0xbd: {  	[sflag:s0] =	ssyncadd.remote.s32 $0x1  }
0xbe: {  	_ =	sfence.sel $0xFFFF  }
0xbf: {  	[dreg:$0x0] =	wrdreg $0xFFFFFFFF;
	(pc) =	sbr.abs _section_cstart, $3  }
0xc0: {  	[dreg:$0x1] =	wrdreg $0xFFFFFFFF  }
0xc1: {  	_ =	task.clear_ibuf [dreg:s6], $0x2FFFF;
	_ =	strace $0x9FFFFFFF  }
0xc2: {  	(tm) =	ssettm $0x7FFFFFFF  }
0xc3: {  	_ =	shalt  }
tec
execute0_lowered:
.L_overlay_start_1:
0x0: {  	(tag) =	ssettag $0x1  }
0x1: {  	s0 =	srdreg.scid;
	s1 =	rddreg [dreg:$0x0]  }
0x2: {  	s2 =	rddreg [dreg:$0x1];
	s10 =	stileid.u32;
	s3 =	simm.s32 $0x0  }
0x3: {  	s11 =	simm.s32 $0x4;
	s0 =	sand.u32 $0x1, s0;
	s6 =	smul.u32 $0x50000, s10  }
0x4: {  	[smem:$0x7FF] =	sst s3;
	s9 =	smul.u32 $0x13800, s10;
	p0 =	seq.s32 s10, $0xF  }
0x5: {  	s4 =	sshll.u32 s0, $0x4;
	_ =	strace $0x80000047;
	s7 =	ssub.s32 $0x2, s0  }
0x6: {  	s0 =	smul.u32 $0x138800, s0;
	s4 =	sor.u32 s10, s4;
	s18 =	sshrl.u32 s7, $0x1  }
0x7: {  	s19 =	sshrl.u32 s6, $0x2;
	s10 =	simm.s32 $0xB000;
	s5 =	smul.u32 $0xA00, s4  }
0x8: {  	s4 =	sadd.s32 $0xC6800, s1;
	s7 =	ssub.s32 s7, s18;
	s21 =	sadd.s32 s9, s0  }
0x9: {  	s0 =	sshrl.u32 s0, $0x3;
	s6 =	sshrl.u32 s21, $0x3;
	s22 =	smax.u32 s7, $0x1  }
0xa: {  	s7 =	simm.s32 $0x1;
	s8 =	sadd.s32 s5, s1;
	s1 =	sadd.s32 $0xEDA00, s1  }
0xb: {  	s5 =	sadd.s32 s19, s2;
	[dreg:$0x7] =	wrdreg s22;
	s20 =	sadd.s32 $0x16400, s8  }
0xc: {  	s8 =	sadd.s32 $0x2400, s8;
	s6 =	sadd.s32 s1, s6;
	s0 =	sadd.s32 s1, s0  }
0xd: {  	s23 =	sadd.s32 $0x1000, s5;
	s24 =	sadd.s32 $0x2000, s5;
	s25 =	sadd.s32 $0x3000, s5  }
0xe: {  	s26 =	sadd.s32 $0x4000, s5;
	s15 =	sadd.s32 $0x5000, s5;
	s16 =	sadd.s32 $0x6000, s5  }
0xf: {  	s17 =	sadd.s32 $0x7000, s5;
	s18 =	sadd.s32 $0x8000, s5;
	[dreg:$0x3] =	wrdreg s20  }
0x10: {  	s19 =	sadd.s32 $0x9000, s5;
	s21 =	sadd.s32 $0xB000, s5;
	[dreg:$0x4] =	wrdreg s8  }
0x11: {  	s22 =	sadd.s32 $0xC000, s5;
	s28 =	sadd.s32 $0xF000, s5;
	[dreg:$0x5] =	wrdreg s6  }
0x12: {  	s29 =	sadd.s32 $0x10000, s5;
	s30 =	sadd.s32 $0x11000, s5;
	[dreg:$0x8] =	wrdreg s23  }
0x13: {  	s31 =	sadd.s32 $0x12000, s5;
	s1 =	simm.s32 $0xA000;
	[dreg:$0x9] =	wrdreg s24  }
0x14: {  	s6 =	sadd.s32 s9, s2;
	s0 =	sadd.s32 $0x24900, s0;
	[dreg:$0xa] =	wrdreg s25  }
0x15: {  	[dreg:$0xb] =	wrdreg s26;
	s20 =	sadd.s32 $0xA000, s5;
	s23 =	sadd.s32 $0xD000, s5  }
0x16: {  	s26 =	sadd.s32 $0xE000, s5;
	s8 =	simm.s32 $0x2;
	s9 =	simm.s32 $0x7D  }
0x17: {  	[dreg:$0x6] =	wrdreg s0;
	s0 =	sadd.s32 $0x124800, s2;
	s25 =	sshrl.u32 @!p0 s6, $0x3  }
0x18: {  	v0 =	vimm.f32 $0.0e+00;
	s6 =	simm.s32 $0x3;
	s24 =	sshrl.u32 @p0 s0, $0x3;
	s0 =	sadd.s32 $0x13000, s5  }
.LBB2_1:
0x19: {  	s12 =	simm.s32 $0x80;
	s13 =	simm.s32 $0x0  }
.LBB2_2:
0x1a: {  	p1 =	sne.s32 s12, $0x3F80;
	[tilespmem:s13+$0xA000] =	vst v0;
	s14 =	smov.u32 s12;
	s12 =	sadd.s32 $0x80, s12  }
.Ltmp0:
0x1b: {  	[tilespmem:s13+$0xA010] =	vst v0;
	(pc) =	sbr.rel @p1 .LBB2_2-.Ltmp0, $2  }
0x1c: {  	_ =	sdelay $0x2  }
0x1d: {  	s13 =	sshra.s32 s14, $0x2  }
0x1e: {  	[tilespmem:s13+$0xA000] =	vst v0  }
0x1f: {  	[tilespmem:s13+$0xA010] =	vst v0  }
0x20: {  	[spmem:s5] =	stream.linear.scatter [tilespmem:s1], [sflag:$0x3], $0x1000, $0x38;
	v63 =	vld [tilespmem:$0x0]  }
0x21: {  	s12 =	rddreg [dreg:$0x8]  }
0x22: {  	[spmem:s12] =	stream.linear.scatter [tilespmem:s1], [sflag:$0x3], $0x1000, $0x38;
	v63 =	vld [tilespmem:$0x0]  }
0x23: {  	s13 =	rddreg [dreg:$0x9]  }
0x24: {  	[spmem:s13] =	stream.linear.scatter [tilespmem:s1], [sflag:$0x3], $0x1000, $0x38;
	v63 =	vld [tilespmem:$0x0]  }
0x25: {  	s14 =	rddreg [dreg:$0xa]  }
0x26: {  	[spmem:s14] =	stream.linear.scatter [tilespmem:s1], [sflag:$0x3], $0x1000, $0x38;
	v63 =	vld [tilespmem:$0x0]  }
0x27: {  	s13 =	rddreg [dreg:$0xb]  }
0x28: {  	[spmem:s13] =	stream.linear.scatter [tilespmem:s1], [sflag:$0x3], $0x1000, $0x38;
	v63 =	vld [tilespmem:$0x0]  }
0x29: {  	_ = 	snop  }
0x2a: {  	[spmem:s15] =	stream.linear.scatter [tilespmem:s1], [sflag:$0x3], $0x1000, $0x38;
	v63 =	vld [tilespmem:$0x0]  }
0x2b: {  	_ = 	snop  }
0x2c: {  	[spmem:s16] =	stream.linear.scatter [tilespmem:s1], [sflag:$0x3], $0x1000, $0x38;
	v63 =	vld [tilespmem:$0x0]  }
0x2d: {  	_ = 	snop  }
0x2e: {  	[spmem:s17] =	stream.linear.scatter [tilespmem:s1], [sflag:$0x3], $0x1000, $0x38;
	v63 =	vld [tilespmem:$0x0]  }
0x2f: {  	_ = 	snop  }
0x30: {  	[spmem:s18] =	stream.linear.scatter [tilespmem:s1], [sflag:$0x3], $0x1000, $0x38;
	v63 =	vld [tilespmem:$0x0]  }
0x31: {  	_ = 	snop  }
0x32: {  	[spmem:s19] =	stream.linear.scatter [tilespmem:s1], [sflag:$0x3], $0x1000, $0x38;
	v63 =	vld [tilespmem:$0x0]  }
0x33: {  	_ = 	snop  }
0x34: {  	[spmem:s20] =	stream.linear.scatter [tilespmem:s1], [sflag:$0x3], $0x1000, $0x38;
	v63 =	vld [tilespmem:$0x0]  }
0x35: {  	_ = 	snop  }
0x36: {  	[spmem:s21] =	stream.linear.scatter [tilespmem:s1], [sflag:$0x3], $0x1000, $0x38;
	v63 =	vld [tilespmem:$0x0]  }
0x37: {  	_ = 	snop  }
0x38: {  	[spmem:s22] =	stream.linear.scatter [tilespmem:s1], [sflag:$0x3], $0x1000, $0x38;
	v63 =	vld [tilespmem:$0x0]  }
0x39: {  	_ = 	snop  }
0x3a: {  	[spmem:s23] =	stream.linear.scatter [tilespmem:s1], [sflag:$0x3], $0x1000, $0x38;
	v63 =	vld [tilespmem:$0x0]  }
0x3b: {  	_ = 	snop  }
0x3c: {  	[spmem:s26] =	stream.linear.scatter [tilespmem:s1], [sflag:$0x3], $0x1000, $0x38;
	v63 =	vld [tilespmem:$0x0]  }
0x3d: {  	_ = 	snop  }
0x3e: {  	[spmem:s28] =	stream.linear.scatter [tilespmem:s1], [sflag:$0x3], $0x1000, $0x38;
	v63 =	vld [tilespmem:$0x0]  }
0x3f: {  	_ = 	snop  }
0x40: {  	[spmem:s29] =	stream.linear.scatter [tilespmem:s1], [sflag:$0x3], $0x1000, $0x38;
	v63 =	vld [tilespmem:$0x0]  }
0x41: {  	_ = 	snop  }
0x42: {  	[spmem:s30] =	stream.linear.scatter [tilespmem:s1], [sflag:$0x3], $0x1000, $0x38;
	v63 =	vld [tilespmem:$0x0]  }
0x43: {  	_ = 	snop  }
0x44: {  	[spmem:s31] =	stream.linear.scatter [tilespmem:s1], [sflag:$0x3], $0x1000, $0x38;
	v63 =	vld [tilespmem:$0x0]  }
0x45: {  	_ = 	snop  }
0x46: {  	[spmem:s0] =	stream.linear.scatter [tilespmem:s1], [sflag:$0x3], $0x1000, $0x38;
	v63 =	vld [tilespmem:$0x0]  }
0x47: {  	s12 =	simm.s32 $0x0;
	s14 =	rddreg [dreg:$0x3]  }
0x48: {  	[tilespmem:s12], [sflag:$0x1] =	stream.linear.gather [hbm4b:s14+s12], $0x5000, $0x38;
	v63 =	vld [tilespmem:$0x0]  }
0x49: {  	s13 =	rddreg [dreg:$0x4];
	s14 =	simm.s32 $0x5000  }
0x4a: {  	[tilespmem:s14], [sflag:$0x2] =	stream.linear.gather [hbm4b:s13+s12], $0x5000, $0x38;
	v63 =	vld [tilespmem:$0x0]  }
0x4b: {  	_ =	swait.ge [sflag:s6], $0x1000  }
0x4c: {  	[sflag:s6] =	ssyncset.done $0x0  }
0x4d: {  	[sflag:s6] =	ssyncadd.s32 $0xFFFFF000  }
0x4e: {  	_ =	swait.ge [sflag:s6], $0x1000  }
0x4f: {  	[sflag:s6] =	ssyncset.done $0x0  }
0x50: {  	[sflag:s6] =	ssyncadd.s32 $0xFFFFF000  }
0x51: {  	_ =	swait.ge [sflag:s6], $0x1000  }
0x52: {  	[sflag:s6] =	ssyncset.done $0x0  }
0x53: {  	[sflag:s6] =	ssyncadd.s32 $0xFFFFF000  }
0x54: {  	_ =	swait.ge [sflag:s6], $0x1000  }
0x55: {  	[sflag:s6] =	ssyncset.done $0x0  }
0x56: {  	[sflag:s6] =	ssyncadd.s32 $0xFFFFF000  }
0x57: {  	_ =	swait.ge [sflag:s6], $0x1000  }
0x58: {  	[sflag:s6] =	ssyncset.done $0x0  }
0x59: {  	[sflag:s6] =	ssyncadd.s32 $0xFFFFF000  }
0x5a: {  	_ =	swait.ge [sflag:s6], $0x1000  }
0x5b: {  	[sflag:s6] =	ssyncset.done $0x0  }
0x5c: {  	[sflag:s6] =	ssyncadd.s32 $0xFFFFF000  }
0x5d: {  	_ =	swait.ge [sflag:s6], $0x1000  }
0x5e: {  	[sflag:s6] =	ssyncset.done $0x0  }
0x5f: {  	[sflag:s6] =	ssyncadd.s32 $0xFFFFF000  }
0x60: {  	_ =	swait.ge [sflag:s6], $0x1000  }
0x61: {  	[sflag:s6] =	ssyncset.done $0x0  }
0x62: {  	[sflag:s6] =	ssyncadd.s32 $0xFFFFF000  }
0x63: {  	_ =	swait.ge [sflag:s6], $0x1000  }
0x64: {  	[sflag:s6] =	ssyncset.done $0x0  }
0x65: {  	[sflag:s6] =	ssyncadd.s32 $0xFFFFF000  }
0x66: {  	_ =	swait.ge [sflag:s6], $0x1000  }
0x67: {  	[sflag:s6] =	ssyncset.done $0x0  }
0x68: {  	[sflag:s6] =	ssyncadd.s32 $0xFFFFF000  }
0x69: {  	_ =	swait.ge [sflag:s6], $0x1000  }
0x6a: {  	[sflag:s6] =	ssyncset.done $0x0  }
0x6b: {  	[sflag:s6] =	ssyncadd.s32 $0xFFFFF000  }
0x6c: {  	_ =	swait.ge [sflag:s6], $0x1000  }
0x6d: {  	[sflag:s6] =	ssyncset.done $0x0  }
0x6e: {  	[sflag:s6] =	ssyncadd.s32 $0xFFFFF000  }
0x6f: {  	_ =	swait.ge [sflag:s6], $0x1000  }
0x70: {  	[sflag:s6] =	ssyncset.done $0x0  }
0x71: {  	[sflag:s6] =	ssyncadd.s32 $0xFFFFF000  }
0x72: {  	_ =	swait.ge [sflag:s6], $0x1000  }
0x73: {  	[sflag:s6] =	ssyncset.done $0x0  }
0x74: {  	[sflag:s6] =	ssyncadd.s32 $0xFFFFF000  }
0x75: {  	_ =	swait.ge [sflag:s6], $0x1000  }
0x76: {  	[sflag:s6] =	ssyncset.done $0x0  }
0x77: {  	[sflag:s6] =	ssyncadd.s32 $0xFFFFF000  }
0x78: {  	_ =	swait.ge [sflag:s6], $0x1000  }
0x79: {  	[sflag:s6] =	ssyncset.done $0x0  }
0x7a: {  	[sflag:s6] =	ssyncadd.s32 $0xFFFFF000  }
0x7b: {  	_ =	swait.ge [sflag:s6], $0x1000  }
0x7c: {  	[sflag:s6] =	ssyncset.done $0x0  }
0x7d: {  	[sflag:s6] =	ssyncadd.s32 $0xFFFFF000  }
0x7e: {  	_ =	swait.ge [sflag:s6], $0x1000  }
0x7f: {  	[sflag:s6] =	ssyncset.done $0x0  }
0x80: {  	[sflag:s6] =	ssyncadd.s32 $0xFFFFF000  }
0x81: {  	_ =	swait.ge [sflag:s6], $0x1000  }
0x82: {  	[sflag:s6] =	ssyncset.done $0x0  }
0x83: {  	[sflag:s6] =	ssyncadd.s32 $0xFFFFF000  }
0x84: {  	_ =	swait.ge [sflag:s6], $0x1000  }
0x85: {  	[sflag:s6] =	ssyncset.done $0x0  }
0x86: {  	[sflag:s6] =	ssyncadd.s32 $0xFFFFF000  }
0x87: {  	_ =	swait.ge [sflag:s7], $0x5000  }
0x88: {  	[sflag:s7] =	ssyncset.done $0x0  }
0x89: {  	[sflag:s7] =	ssyncadd.s32 $0xFFFFB000  }
0x8a: {  	_ =	swait.ge [sflag:s8], $0x5000  }
0x8b: {  	[sflag:s8] =	ssyncset.done $0x0  }
0x8c: {  	[sflag:s8] =	ssyncadd.s32 $0xFFFFB000  }
0x8d: {  	[bflag:$0x0] =	sbarrier.arrive $0xFFFF  }
0x8e: {  	[tilespmem:s1], [sflag:$0x1] =	stream.indirect.gather [hbm4b:s4+s9], $0x20, s12, s9, $0xb8;
	v63 =	vld [tilespmem:$0x0]  }
0x8f: {  	s13 =	simm.s32 $0x80  }
0x90: {  	[tilespmem:s10], [sflag:$0x2] =	stream.indirect.gather [hbm4b:s4+s9], $0x20, s13, s9, $0xb8;
	v63 =	vld [tilespmem:$0x0]  }
0x91: {  	_ =	swait.ge [sflag:s7], $0xFA0  }
0x92: {  	[sflag:s7] =	ssyncset.done $0x0  }
0x93: {  	s14 =	simm.s32 $0x5000;
	[sflag:s7] =	ssyncadd.s32 $0xFFFFF060  }
0x94: {  	[spmem:s2] =	stream.indirect.scatter.add.f32 [tilespmem:s1], [sflag:$0x3], $0x20, s14, s9, $0xb8;
	v63 =	vld [tilespmem:$0x0]  }
0x95: {  	_ =	swait.ge [sflag:s8], $0xFA0  }
0x96: {  	[sflag:s8] =	ssyncset.done $0x0  }
0x97: {  	s13 =	simm.s32 $0x5080;
	[sflag:s8] =	ssyncadd.s32 $0xFFFFF060  }
0x98: {  	[spmem:s2] =	stream.indirect.scatter.add.f32 [tilespmem:s10], [sflag:$0x4], $0x20, s13, s9, $0xb8;
	v63 =	vld [tilespmem:$0x0]  }
0x99: {  	_ =	swait.ge [sflag:s6], $0xFA0  }
0x9a: {  	[sflag:s6] =	ssyncset.done $0x0  }
0x9b: {  	s14 =	simm.s32 $0x100;
	[sflag:s6] =	ssyncadd.s32 $0xFFFFF060  }
0x9c: {  	[tilespmem:s1], [sflag:$0x1] =	stream.indirect.gather [hbm4b:s4+s9], $0x20, s14, s9, $0xb8;
	v63 =	vld [tilespmem:$0x0]  }
0x9d: {  	_ =	swait.ge [sflag:s11], $0xFA0  }
0x9e: {  	[sflag:s11] =	ssyncset.done $0x0  }
0x9f: {  	s12 =	simm.s32 $0x400;
	s13 =	simm.s32 $0x180;
	[sflag:s11] =	ssyncadd.s32 $0xFFFFF060  }
.LBB2_4:
0xa0: {  	[tilespmem:s10], [sflag:$0x2] =	stream.indirect.gather [hbm4b:s4+s9], $0x20, s13, s9, $0xb8;
	v63 =	vld [tilespmem:$0x0]  }
0xa1: {  	s13 =	smov.u32 s12  }
0xa2: {  	p1 =	sne.s32 s12, $0x13800;
	s12 =	sadd.s32 $0x400, s12;
	_ =	swait.ge [sflag:s7], $0xFA0  }
0xa3: {  	s13 =	sshra.s32 s13, $0x2;
	[sflag:s7] =	ssyncset.done $0x0  }
0xa4: {  	s14 =	sadd.s32 $0x5000, s13;
	[sflag:s7] =	ssyncadd.s32 $0xFFFFF060  }
0xa5: {  	[spmem:s2] =	stream.indirect.scatter.add.f32 [tilespmem:s1], [sflag:$0x3], $0x20, s14, s9, $0xb8;
	v63 =	vld [tilespmem:$0x0]  }
0xa6: {  	_ =	swait.ge [sflag:s8], $0xFA0  }
0xa7: {  	[sflag:s8] =	ssyncset.done $0x0  }
0xa8: {  	s14 =	sadd.s32 $0x5080, s13;
	[sflag:s8] =	ssyncadd.s32 $0xFFFFF060  }
0xa9: {  	[spmem:s2] =	stream.indirect.scatter.add.f32 [tilespmem:s10], [sflag:$0x4], $0x20, s14, s9, $0xb8;
	v63 =	vld [tilespmem:$0x0]  }
0xaa: {  	_ =	swait.ge [sflag:s6], $0xFA0  }
0xab: {  	[sflag:s6] =	ssyncset.done $0x0  }
.Ltmp1:
0xac: {  	s14 =	sadd.s32 $0x100, s13;
	[sflag:s6] =	ssyncadd.s32 $0xFFFFF060;
	(pc) =	sbr.rel @p1 .LBB2_4-.Ltmp1, $4  }
0xad: {  	[tilespmem:s1], [sflag:$0x1] =	stream.indirect.gather [hbm4b:s4+s9], $0x20, s14, s9, $0xb8;
	v63 =	vld [tilespmem:$0x0]  }
0xae: {  	_ =	swait.ge [sflag:s11], $0xFA0  }
0xaf: {  	[sflag:s11] =	ssyncset.done $0x0  }
0xb0: {  	s13 =	sadd.s32 $0x180, s13;
	[sflag:s11] =	ssyncadd.s32 $0xFFFFF060  }
0xb1: {  	[tilespmem:s10], [sflag:$0x2] =	stream.indirect.gather [hbm4b:s4+s9], $0x20, s13, s9, $0xb8;
	v63 =	vld [tilespmem:$0x0]  }
0xb2: {  	_ =	swait.ge [sflag:s7], $0xFA0  }
0xb3: {  	[sflag:s7] =	ssyncset.done $0x0  }
0xb4: {  	s12 =	simm.s32 $0x9F00;
	[sflag:s7] =	ssyncadd.s32 $0xFFFFF060  }
0xb5: {  	[spmem:s2] =	stream.indirect.scatter.add.f32 [tilespmem:s1], [sflag:$0x3], $0x20, s12, s9, $0xb8;
	v63 =	vld [tilespmem:$0x0]  }
0xb6: {  	_ =	swait.ge [sflag:s8], $0xFA0  }
0xb7: {  	[sflag:s8] =	ssyncset.done $0x0  }
0xb8: {  	s13 =	simm.s32 $0x9F80;
	[sflag:s8] =	ssyncadd.s32 $0xFFFFF060  }
0xb9: {  	[spmem:s2] =	stream.indirect.scatter.add.f32 [tilespmem:s10], [sflag:$0x4], $0x20, s13, s9, $0xb8;
	v63 =	vld [tilespmem:$0x0]  }
0xba: {  	_ =	swait.ge [sflag:s6], $0xFA0  }
0xbb: {  	[sflag:s6] =	ssyncset.done $0x0  }
0xbc: {  	[sflag:s6] =	ssyncadd.s32 $0xFFFFF060  }
0xbd: {  	_ =	swait.ge [sflag:s11], $0xFA0  }
0xbe: {  	[sflag:s11] =	ssyncset.done $0x0  }
0xbf: {  	[sflag:s11] =	ssyncadd.s32 $0xFFFFF060  }
0xc0: {  	[bflag:$0x0] =	sbarrier.arrive $0xFFFF  }
0xc1: {  	s12 =	simm.s32 @p0 $0x1FC5;
	s13 =	rddreg [dreg:$0x6]  }
0xc2: {  	[hbm:s13], [sflag:s12] =	dma.local @p0 [spmem:s24], $0x2800  }
0xc3: {  	s12 =	simm.s32 @p0 $0x5  }
0xc4: {  	s13 =	stileid.u32;
	_ =	swait.ge @p0 [sflag:s12], $0x2800  }
0xc5: {  	s13 =	sshll.u32 @!p0 s13, $0x6;
	[sflag:s12] =	ssyncset.done @p0 $0x0  }
0xc6: {  	[sflag:s12] =	ssyncadd.s32 @p0 $0xFFFFD800;
	s12 =	sor.u32 @!p0 $0x1C05, s13;
	s13 =	rddreg [dreg:$0x5]  }
0xc7: {  	[hbm:s13], [sflag:s12] =	dma.local @!p0 [spmem:s25], $0x2700  }
0xc8: {  	s12 =	simm.s32 @!p0 $0x5  }
0xc9: {  	_ =	swait.ge @!p0 [sflag:s12], $0x2700  }
0xca: {  	s3 =	sadd.s32 $0x1, s3;
	s14 =	rddreg [dreg:$0x7]  }
0xcb: {  	p1 =	sne.s32 s3, s14  }
.Ltmp2:
0xcc: {  	_ = 	snop;
	(pc) =	sbr.rel @p1 .LBB2_1-.Ltmp2, $3  }
0xcd: {  	_ =	sdelay $0x1  }
0xce: {  	[sflag:s12] =	ssyncset.done @!p0 $0x0  }
0xcf: {  	[sflag:s12] =	ssyncadd.s32 @!p0 $0xFFFFD900  }
0xd0: {  	_ =	sfence.sel $0x180000  }
0xd1: {  	[bflag:$0x0] =	sbarrier.arrive $0xFFFF  }
0xd2: {  	_ =	strace $0x90000047  }
0xd3: {  	s0 =	stileid.u32;
	[bflag:$0x2] =	sbarrier.arrive $0xFFFF  }
0xd4: {  	p0 =	sne.s32 s0, $0x0;
	s0 =	rddreg [dreg:$0x2]  }
0xd5: {  	s0 =	sadd.s32 @!p0 $0x100000, s0  }
0xd6: {  	[sflag:s0] =	ssyncadd.tile.s32 @!p0 $0x1;
	_ =	shalt  }
.Lfunc_end2:
_tile_overlayer_lowered:
.L_overlay_start_2:
0xd7: {  	(tag) =	ssettag $0x2  }
0xd8: {  	s0 =	rddreg [dreg:$0x0];
	s2 =	stileid.u32  }
0xd9: {  	s1 =	rddreg [dreg:$0x1];
	p0 =	sne.s32 s2, $0x0  }
0xda: {  	s3 =	rddreg [dreg:$0x2];
	[bflag:$0x3] =	sbarrier.arrive $0xFFFF;
	s2 =	simm.s32 @!p0 $0x1C05  }
0xdb: {  	[timem:s3], [sflag:s2] =	dma.local @!p0 [hbm:s0], s1  }
0xdc: {  	s0 =	simm.s32 @!p0 $0x5  }
0xdd: {  	_ =	swait.ge @!p0 [sflag:s0], s1  }
0xde: {  	s1 =	ssub.s32 @!p0 $0x0, s1;
	[sflag:s0] =	ssyncset.done @!p0 $0x0  }
0xdf: {  	[sflag:s0] =	ssyncadd.s32 @!p0 s1  }
0xe0: {  	[bflag:$0x3] =	sbarrier.arrive $0xFFFF  }
0xe1: {  	_ =	shalt  }

</sc_bundles>
